<compile_context>
chip_gen: v7x
topology: tpu7x:2x2x1
jax: 0.10.2.dev20260603
libtpu: 0.0.44.dev20260713+nightly
codegen_flags: <defaults>
</compile_context>

<pallas_src>
import functools

import jax
import jax.numpy as jnp
from jax import lax
from jax.experimental import pallas as pl
from jax.experimental.pallas import tpu as pltpu
from jax.experimental.pallas import tpu_sc as plsc

_B, _NCAT, _NCONT, _V, _D = 16384, 26, 13, 100000, 32

_NROWS = _NCAT * _D
_NW = 32
_ROWS_PER_W = _NROWS // _NW
_CHUNK = 4096
_NCHUNK = _B // _CHUNK


def _gather_body(idx_hbm, tab_hbm, out_hbm, idx_v, row_v, out_a, out_b,
                 sem_a, sem_b):
    wid = lax.axis_index("s") * 2 + lax.axis_index("c")
    start = wid * _ROWS_PER_W
    end = start + _ROWS_PER_W
    mid = jnp.minimum((lax.div(start, _D) + 1) * _D, end)
    bufs = (out_a, out_b)
    sems = (sem_a, sem_b)

    def store_chunk(r, c, buf, sem):
        pltpu.async_copy(buf, out_hbm.at[r, pl.ds(c * _CHUNK, _CHUNK)], sem)

    def wait_store(buf, sem):
        pltpu.make_async_copy(buf, out_hbm.at[0, pl.ds(0, _CHUNK)],
                              sem).wait()

    def process_row(r, carry):
        pltpu.sync_copy(tab_hbm.at[r], row_v)
        for c in range(_NCHUNK):
            buf, sem = bufs[c % 2], sems[c % 2]
            wait_store(buf, sem)

            @plsc.parallel_loop(0, _CHUNK, step=16, unroll=16)
            def _g(k):
                i16 = idx_v[pl.ds(c * _CHUNK + k, 16)]
                buf[pl.ds(k, 16)] = plsc.load_gather(row_v, [i16])

            store_chunk(r, c, buf, sem)
        return carry

    pltpu.sync_copy(idx_hbm.at[lax.div(start, _D)], idx_v)
    store_chunk(end - 1, 2, out_a, sem_a)
    store_chunk(end - 1, 3, out_b, sem_b)
    lax.fori_loop(start, mid, process_row, 0)

    @pl.when(mid < end)
    def _second_field():
        pltpu.sync_copy(idx_hbm.at[lax.div(mid, _D)], idx_v)

    lax.fori_loop(mid, end, process_row, 0)
    wait_store(out_a, sem_a)
    wait_store(out_b, sem_b)


def _sc_gather(idxT, tabT):
    mesh = plsc.VectorSubcoreMesh(core_axis_name="c", subcore_axis_name="s")
    k = pl.kernel(
        _gather_body,
        mesh=mesh,
        out_type=jax.ShapeDtypeStruct((_NROWS, _B), jnp.float32),
        scratch_types=[
            pltpu.VMEM((_B,), jnp.int32),
            pltpu.VMEM((_V,), jnp.float32),
            pltpu.VMEM((_CHUNK,), jnp.float32),
            pltpu.VMEM((_CHUNK,), jnp.float32),
            pltpu.SemaphoreType.DMA,
            pltpu.SemaphoreType.DMA,
        ],
        compiler_params=pltpu.CompilerParams(needs_layout_passes=False),
    )
    return k(idxT, tabT)


_BT = 2048


def _mlp_body(cat_ref, x_ref, w1a_ref, w1c_ref, b1_ref, w2_ref, b2_ref,
              w3_ref, b3_ref, out_ref):
    x = x_ref[...]
    xc = jnp.where(jnp.isnan(x), 0.0, x)
    x1 = jnp.dot(w1a_ref[...], cat_ref[...], preferred_element_type=jnp.float32)
    x1 = x1 + jnp.dot(w1c_ref[...], xc, preferred_element_type=jnp.float32)
    x1 = jnp.maximum(x1 + b1_ref[...], 0.0)
    x2 = jnp.maximum(
        jnp.dot(w2_ref[...], x1, preferred_element_type=jnp.float32)
        + b2_ref[...], 0.0)
    out_ref[...] = (
        jnp.dot(w3_ref[...], x2, preferred_element_type=jnp.float32)
        + b3_ref[...])


def _mlp(catT, xT, w1a, w1c, b1, w2, b2, w3, b3):
    h1, h2 = w1a.shape[0], w2.shape[0]
    return pl.pallas_call(
        _mlp_body,
        grid=(_B // _BT,),
        in_specs=[
            pl.BlockSpec((_NROWS, _BT), lambda i: (0, i)),
            pl.BlockSpec((_NCONT, _BT), lambda i: (0, i)),
            pl.BlockSpec((h1, _NROWS), lambda i: (0, 0)),
            pl.BlockSpec((h1, _NCONT), lambda i: (0, 0)),
            pl.BlockSpec((h1, 1), lambda i: (0, 0)),
            pl.BlockSpec((h2, h1), lambda i: (0, 0)),
            pl.BlockSpec((h2, 1), lambda i: (0, 0)),
            pl.BlockSpec((1, h2), lambda i: (0, 0)),
            pl.BlockSpec((1, 1), lambda i: (0, 0)),
        ],
        out_specs=pl.BlockSpec((1, _BT), lambda i: (0, i)),
        out_shape=jax.ShapeDtypeStruct((1, _B), jnp.float32),
    )(catT, xT, w1a, w1c, b1, w2, b2, w3, b3)


def kernel(x_cat, x_cont, cat_tables, cont_tables, W1, b1, W2, b2, Wout, bout):
    idxT = x_cat.T
    tabT = cat_tables.transpose(0, 2, 1).reshape(_NROWS, _V)
    catT = _sc_gather(idxT, tabT)

    xT = x_cont.T
    w1a = W1[:, :_NROWS]
    w1c = jnp.einsum("id,jid->ji", cont_tables[:, 1, :],
                     W1[:, _NROWS:].reshape(-1, _NCONT, _D))
    out = _mlp(catT, xT, w1a, w1c, b1.reshape(-1, 1), W2,
               b2.reshape(-1, 1), Wout, bout.reshape(-1, 1))
    return out.reshape(_B, 1)

# --- scband reference (transcript-rebuilt; emitter-appended) ---
"""Pipeline reference for scband-embed-mixed-input-model-49898930045628 (READ-ONLY COPY).

The authoritative reference and input builder live on the scoring server;
editing this copy changes nothing except your own understanding.
"""

import jax, jax.numpy as jnp
import numpy as np

B, NCAT, NCONT, V, D = 16384, 26, 13, 100000, 32
SZS = [D * (NCAT + NCONT), 512, 256]
OUT_SZ = 1


def setup_inputs(seed: int = 0) -> dict:
    key = jax.random.key(seed)
    ks = jax.random.split(key, 10)
    x_cat = jax.random.randint(ks[0], (B, NCAT), 0, V, dtype=jnp.int64 if jax.config.jax_enable_x64 else jnp.int32).astype(jnp.int32)
    x_cont = jax.random.normal(ks[1], (B, NCONT), dtype=jnp.float32)
    sc = 2.0 / (D + 1)
    cat_tables = jax.random.uniform(ks[2], (NCAT, V, D), minval=-sc, maxval=sc, dtype=jnp.float32)
    cont_tables = jax.random.uniform(ks[3], (NCONT, 2, D), minval=-sc, maxval=sc, dtype=jnp.float32)
    # kaiming_normal init for linear layers (fan_in mode, gain sqrt(2))
    W1 = jax.random.normal(ks[4], (SZS[1], SZS[0]), dtype=jnp.float32) * np.sqrt(2.0 / SZS[0])
    b1 = jnp.zeros((SZS[1],), dtype=jnp.float32)
    W2 = jax.random.normal(ks[5], (SZS[2], SZS[1]), dtype=jnp.float32) * np.sqrt(2.0 / SZS[1])
    b2 = jnp.zeros((SZS[2],), dtype=jnp.float32)
    Wout = jax.random.normal(ks[6], (OUT_SZ, SZS[2]), dtype=jnp.float32) * np.sqrt(2.0 / SZS[2])
    bout = jnp.zeros((OUT_SZ,), dtype=jnp.float32)
    return {"x_cat": x_cat, "x_cont": x_cont, "cat_tables": cat_tables,
            "cont_tables": cont_tables, "W1": W1, "b1": b1, "W2": W2, "b2": b2,
            "Wout": Wout, "bout": bout}


def reference(x_cat, x_cont, cat_tables, cont_tables, W1, b1, W2, b2, Wout, bout):
    # categorical embeddings: one table per field, gather rows
    cat_vecs = [jnp.take(cat_tables[i], x_cat[:, i], axis=0) for i in range(NCAT)]
    # continuous 'embeddings': index 0 if NaN else 1, scaled by the (NaN-zeroed) value
    cont_idxs = jnp.where(jnp.isnan(x_cont), 0, 1).astype(jnp.int32)
    x_cont_clean = jnp.where(jnp.isnan(x_cont), jnp.zeros_like(x_cont), x_cont)
    cont_vecs = [x_cont_clean[:, i:i + 1] * jnp.take(cont_tables[i], cont_idxs[:, i], axis=0)
                 for i in range(NCONT)]
    x = jnp.concatenate(cat_vecs + cont_vecs, axis=1)  # [B, D*(NCAT+NCONT)]
    # emb_drop / drops are 0.0 (identity in eval); use_bn=False so BN layers skipped
    x = jax.nn.relu(x @ W1.T + b1)
    x = jax.nn.relu(x @ W2.T + b2)
    x = x @ Wout.T + bout
    # is_reg=True, y_range=None -> raw regression output
    return x

if __name__ == "__main__":
    import jax
    _d = setup_inputs()
    print(jax.jit(kernel)(*tuple(_d.values())))

</pallas_src>

<mosaic_0001>
#map = affine_map<(d0, d1) -> (0, 0)>
module attributes {stable_mosaic.version = 14 : i64} {
  func.func @_gather_body(%arg0: i32, %arg1: i32, %arg2: memref<26x16384xi32, #tpu.memory_space<hbm>>, %arg3: memref<832x100000xf32, #tpu.memory_space<hbm>>, %arg4: memref<832x16384xf32, #tpu.memory_space<hbm>>, %arg5: memref<16384xi32, #tpu.memory_space<vmem>>, %arg6: memref<100000xf32, #tpu.memory_space<vmem>>, %arg7: memref<4096xf32, #tpu.memory_space<vmem>>, %arg8: memref<4096xf32, #tpu.memory_space<vmem>>, %arg9: memref<!tpu.dma_semaphore, #tpu.memory_space<semaphore_mem>>, %arg10: memref<!tpu.dma_semaphore, #tpu.memory_space<semaphore_mem>>) attributes {dimension_semantics = [#tpu.dimension_semantics<core_parallel>, #tpu.dimension_semantics<subcore_parallel>], iteration_bounds = array<i64: 2, 16>, scalar_prefetch = 0 : i64, scratch_operands = 6 : i64, tpu.core_type = #tpu.core_type<sc_vector_subcore>, window_params = [{transform_indices = #map}, {transform_indices = #map}, {transform_indices = #map}]} {
    %mul3A = arith.constant 2 : i32
    %mul3A_0 = arith.muli %arg1, %mul3A : i32
    %add3A = arith.addi %mul3A_0, %arg0 : i32
    %mul3A_1 = arith.constant 26 : i32
    %mul3A_2 = arith.muli %add3A, %mul3A_1 : i32
    %add3A_3 = arith.constant 26 : i32
    %add3A_4 = arith.addi %mul3A_2, %add3A_3 : i32
    %div3A = arith.constant 32 : i32
    %div3A_5 = arith.divsi %mul3A_2, %div3A : i32
    %add3A_6 = arith.constant 1 : i32
    %add3A_7 = arith.addi %div3A_5, %add3A_6 : i32
    %mul3A_8 = arith.constant 32 : i32
    %mul3A_9 = arith.muli %add3A_7, %mul3A_8 : i32
    %min3A = arith.minsi %mul3A_9, %add3A_4 : i32
    %div3A_10 = arith.constant 32 : i32
    %div3A_11 = arith.divsi %mul3A_2, %div3A_10 : i32
    "tpu.region"() ({
      %run_scoped3A = tpu.sem_alloc : memref<!tpu.dma_semaphore, #tpu.memory_space<semaphore_mem>>
      %dma_start3A_57 = arith.constant 0 : i32
      %dma_start3A_58 = tpu.memref_slice %arg2[%div3A_11, %dma_start3A_57] : memref<26x16384xi32, #tpu.memory_space<hbm>> -> memref<1x16384xi32, #tpu.memory_space<hbm>>
      %dma_start3A_59 = tpu.memref_squeeze %dma_start3A_58 : memref<1x16384xi32, #tpu.memory_space<hbm>> -> memref<16384xi32, #tpu.memory_space<hbm>>
      %dma_start3A_60 = arith.constant 0 : i32
      %dma_start3A_61 = tpu.memref_slice %arg2[%div3A_11, %dma_start3A_60] : memref<26x16384xi32, #tpu.memory_space<hbm>> -> memref<1x16384xi32, #tpu.memory_space<hbm>>
      %dma_start3A_62 = tpu.memref_squeeze %dma_start3A_61 : memref<1x16384xi32, #tpu.memory_space<hbm>> -> memref<16384xi32, #tpu.memory_space<hbm>>
      tpu.enqueue_dma source(%dma_start3A_62 : memref<16384xi32, #tpu.memory_space<hbm>>) target(%arg5 : memref<16384xi32, #tpu.memory_space<vmem>>) target_semaphore(%run_scoped3A : memref<!tpu.dma_semaphore, #tpu.memory_space<semaphore_mem>>)
      %dma_wait3A_63 = arith.constant 0 : i32
      %dma_wait3A_64 = tpu.memref_slice %arg2[%div3A_11, %dma_wait3A_63] : memref<26x16384xi32, #tpu.memory_space<hbm>> -> memref<1x16384xi32, #tpu.memory_space<hbm>>
      %dma_wait3A_65 = tpu.memref_squeeze %dma_wait3A_64 : memref<1x16384xi32, #tpu.memory_space<hbm>> -> memref<16384xi32, #tpu.memory_space<hbm>>
      %dma_wait3A_66 = arith.constant 0 : i32
      %dma_wait3A_67 = tpu.memref_slice %arg2[%div3A_11, %dma_wait3A_66] : memref<26x16384xi32, #tpu.memory_space<hbm>> -> memref<1x16384xi32, #tpu.memory_space<hbm>>
      %dma_wait3A_68 = tpu.memref_squeeze %dma_wait3A_67 : memref<1x16384xi32, #tpu.memory_space<hbm>> -> memref<16384xi32, #tpu.memory_space<hbm>>
      tpu.wait_dma2 semaphore(%run_scoped3A : memref<!tpu.dma_semaphore, #tpu.memory_space<semaphore_mem>>) src(%dma_wait3A_68 : memref<16384xi32, #tpu.memory_space<hbm>>) dst(%arg5 : memref<16384xi32, #tpu.memory_space<vmem>>)
      tpu.yield
    }) : () -> ()
    %sub3A = arith.constant 1 : i32
    %sub3A_12 = arith.subi %add3A_4, %sub3A : i32
    %dma_start3A = arith.constant 8192 : i32
    %dma_start3A_13 = tpu.memref_slice %arg4[%sub3A_12, %dma_start3A] : memref<832x16384xf32, #tpu.memory_space<hbm>> -> memref<1x4096xf32, #tpu.memory_space<hbm>>
    %dma_start3A_14 = tpu.memref_squeeze %dma_start3A_13 : memref<1x4096xf32, #tpu.memory_space<hbm>> -> memref<4096xf32, #tpu.memory_space<hbm>>
    %dma_start3A_15 = arith.constant 8192 : i32
    %dma_start3A_16 = tpu.memref_slice %arg4[%sub3A_12, %dma_start3A_15] : memref<832x16384xf32, #tpu.memory_space<hbm>> -> memref<1x4096xf32, #tpu.memory_space<hbm>>
    %dma_start3A_17 = tpu.memref_squeeze %dma_start3A_16 : memref<1x4096xf32, #tpu.memory_space<hbm>> -> memref<4096xf32, #tpu.memory_space<hbm>>
    tpu.enqueue_dma source(%arg7 : memref<4096xf32, #tpu.memory_space<vmem>>) target(%dma_start3A_17 : memref<4096xf32, #tpu.memory_space<hbm>>) target_semaphore(%arg9 : memref<!tpu.dma_semaphore, #tpu.memory_space<semaphore_mem>>)
    %sub3A_18 = arith.constant 1 : i32
    %sub3A_19 = arith.subi %add3A_4, %sub3A_18 : i32
    %dma_start3A_20 = arith.constant 12288 : i32
    %dma_start3A_21 = tpu.memref_slice %arg4[%sub3A_19, %dma_start3A_20] : memref<832x16384xf32, #tpu.memory_space<hbm>> -> memref<1x4096xf32, #tpu.memory_space<hbm>>
    %dma_start3A_22 = tpu.memref_squeeze %dma_start3A_21 : memref<1x4096xf32, #tpu.memory_space<hbm>> -> memref<4096xf32, #tpu.memory_space<hbm>>
    %dma_start3A_23 = arith.constant 12288 : i32
    %dma_start3A_24 = tpu.memref_slice %arg4[%sub3A_19, %dma_start3A_23] : memref<832x16384xf32, #tpu.memory_space<hbm>> -> memref<1x4096xf32, #tpu.memory_space<hbm>>
    %dma_start3A_25 = tpu.memref_squeeze %dma_start3A_24 : memref<1x4096xf32, #tpu.memory_space<hbm>> -> memref<4096xf32, #tpu.memory_space<hbm>>
    tpu.enqueue_dma source(%arg8 : memref<4096xf32, #tpu.memory_space<vmem>>) target(%dma_start3A_25 : memref<4096xf32, #tpu.memory_space<hbm>>) target_semaphore(%arg10 : memref<!tpu.dma_semaphore, #tpu.memory_space<semaphore_mem>>)
    %while3A = arith.constant 0 : i32
    %while3A_26 = arith.subi %min3A, %mul3A_2 : i32
    %while3A_27 = arith.addi %mul3A_2, %while3A_26 : i32
    %while3A_28 = arith.constant 1 : i32
    %while3A_29 = arith.divsi %while3A_26, %while3A_28 : i32
    %while3A_30 = arith.muli %while3A_29, %while3A_28 : i32
    %while3A_31 = arith.addi %mul3A_2, %while3A_30 : i32
    %while3A_32 = arith.constant 1 : i32
    scf.for %while3A_57 = %mul3A_2 to %while3A_31 step %while3A_32  : i32 {
      "tpu.region"() ({
        %run_scoped3A = tpu.sem_alloc : memref<!tpu.dma_semaphore, #tpu.memory_space<semaphore_mem>>
        %dma_start3A_121 = arith.constant 0 : i32
        %dma_start3A_122 = tpu.memref_slice %arg3[%while3A_57, %dma_start3A_121] : memref<832x100000xf32, #tpu.memory_space<hbm>> -> memref<1x100000xf32, #tpu.memory_space<hbm>>
        %dma_start3A_123 = tpu.memref_squeeze %dma_start3A_122 : memref<1x100000xf32, #tpu.memory_space<hbm>> -> memref<100000xf32, #tpu.memory_space<hbm>>
        %dma_start3A_124 = arith.constant 0 : i32
        %dma_start3A_125 = tpu.memref_slice %arg3[%while3A_57, %dma_start3A_124] : memref<832x100000xf32, #tpu.memory_space<hbm>> -> memref<1x100000xf32, #tpu.memory_space<hbm>>
        %dma_start3A_126 = tpu.memref_squeeze %dma_start3A_125 : memref<1x100000xf32, #tpu.memory_space<hbm>> -> memref<100000xf32, #tpu.memory_space<hbm>>
        tpu.enqueue_dma source(%dma_start3A_126 : memref<100000xf32, #tpu.memory_space<hbm>>) target(%arg6 : memref<100000xf32, #tpu.memory_space<vmem>>) target_semaphore(%run_scoped3A : memref<!tpu.dma_semaphore, #tpu.memory_space<semaphore_mem>>)
        %dma_wait3A_127 = arith.constant 0 : i32
        %dma_wait3A_128 = tpu.memref_slice %arg3[%while3A_57, %dma_wait3A_127] : memref<832x100000xf32, #tpu.memory_space<hbm>> -> memref<1x100000xf32, #tpu.memory_space<hbm>>
        %dma_wait3A_129 = tpu.memref_squeeze %dma_wait3A_128 : memref<1x100000xf32, #tpu.memory_space<hbm>> -> memref<100000xf32, #tpu.memory_space<hbm>>
        %dma_wait3A_130 = arith.constant 0 : i32
        %dma_wait3A_131 = tpu.memref_slice %arg3[%while3A_57, %dma_wait3A_130] : memref<832x100000xf32, #tpu.memory_space<hbm>> -> memref<1x100000xf32, #tpu.memory_space<hbm>>
        %dma_wait3A_132 = tpu.memref_squeeze %dma_wait3A_131 : memref<1x100000xf32, #tpu.memory_space<hbm>> -> memref<100000xf32, #tpu.memory_space<hbm>>
        tpu.wait_dma2 semaphore(%run_scoped3A : memref<!tpu.dma_semaphore, #tpu.memory_space<semaphore_mem>>) src(%dma_wait3A_132 : memref<100000xf32, #tpu.memory_space<hbm>>) dst(%arg6 : memref<100000xf32, #tpu.memory_space<vmem>>)
        tpu.yield
      }) : () -> ()
      %dma_wait3A_58 = arith.constant 0 : i32
      %dma_wait3A_59 = arith.constant 0 : i32
      %dma_wait3A_60 = tpu.memref_slice %arg4[%dma_wait3A_58, %dma_wait3A_59] : memref<832x16384xf32, #tpu.memory_space<hbm>> -> memref<1x4096xf32, #tpu.memory_space<hbm>>
      %dma_wait3A_61 = tpu.memref_squeeze %dma_wait3A_60 : memref<1x4096xf32, #tpu.memory_space<hbm>> -> memref<4096xf32, #tpu.memory_space<hbm>>
      %dma_wait3A_62 = arith.constant 0 : i32
      %dma_wait3A_63 = tpu.memref_slice %arg4[%dma_wait3A_58, %dma_wait3A_62] : memref<832x16384xf32, #tpu.memory_space<hbm>> -> memref<1x4096xf32, #tpu.memory_space<hbm>>
      %dma_wait3A_64 = tpu.memref_squeeze %dma_wait3A_63 : memref<1x4096xf32, #tpu.memory_space<hbm>> -> memref<4096xf32, #tpu.memory_space<hbm>>
      tpu.wait_dma2 semaphore(%arg9 : memref<!tpu.dma_semaphore, #tpu.memory_space<semaphore_mem>>) src(%arg7 : memref<4096xf32, #tpu.memory_space<vmem>>) dst(%dma_wait3A_64 : memref<4096xf32, #tpu.memory_space<hbm>>)
      %parallel_loop3A = arith.constant 0 : i32
      %parallel_loop3A_65 = arith.constant 4096 : i32
      %parallel_loop3A_66 = arith.constant 16 : i32
      scf.for %parallel_loop3A_121 = %parallel_loop3A to %parallel_loop3A_65 step %parallel_loop3A_66  : i32 {
        %parallel_loop3A_122 = arith.constant 0 : i32
        %parallel_loop3A_123 = arith.addi %parallel_loop3A_122, %parallel_loop3A_121 : i32
        %parallel_loop3A_124 = arith.index_cast %parallel_loop3A_123 : i32 to index
        %parallel_loop3A_125 = tpu.vector_load %arg5[%parallel_loop3A_124] {strides = array<i32>} : memref<16384xi32, #tpu.memory_space<vmem>>, vector<16xi32>,
        %parallel_loop3A_126 = tpu.vector_load_idx %arg6[%parallel_loop3A_125] : memref<100000xf32, #tpu.memory_space<vmem>>[vector<16xi32>], vector<16xf32>,
        %parallel_loop3A_127 = arith.index_cast %parallel_loop3A_121 : i32 to index
        %parallel_loop3A_128 = tpu.vector_load %arg7[%parallel_loop3A_127] {strides = array<i32>} : memref<4096xf32, #tpu.memory_space<vmem>>, vector<16xf32>,
        tpu.vector_store %arg7[%parallel_loop3A_127], %parallel_loop3A_126 {strides = array<i32>} : memref<4096xf32, #tpu.memory_space<vmem>>, vector<16xf32>,
      } {sc.loop_unroll_factor = 16 : i64, sc.parallel_access}
      %dma_start3A_67 = arith.constant 0 : i32
      %dma_start3A_68 = tpu.memref_slice %arg4[%while3A_57, %dma_start3A_67] : memref<832x16384xf32, #tpu.memory_space<hbm>> -> memref<1x4096xf32, #tpu.memory_space<hbm>>
      %dma_start3A_69 = tpu.memref_squeeze %dma_start3A_68 : memref<1x4096xf32, #tpu.memory_space<hbm>> -> memref<4096xf32, #tpu.memory_space<hbm>>
      %dma_start3A_70 = arith.constant 0 : i32
      %dma_start3A_71 = tpu.memref_slice %arg4[%while3A_57, %dma_start3A_70] : memref<832x16384xf32, #tpu.memory_space<hbm>> -> memref<1x4096xf32, #tpu.memory_space<hbm>>
      %dma_start3A_72 = tpu.memref_squeeze %dma_start3A_71 : memref<1x4096xf32, #tpu.memory_space<hbm>> -> memref<4096xf32, #tpu.memory_space<hbm>>
      tpu.enqueue_dma source(%arg7 : memref<4096xf32, #tpu.memory_space<vmem>>) target(%dma_start3A_72 : memref<4096xf32, #tpu.memory_space<hbm>>) target_semaphore(%arg9 : memref<!tpu.dma_semaphore, #tpu.memory_space<semaphore_mem>>)
      %dma_wait3A_73 = arith.constant 0 : i32
      %dma_wait3A_74 = arith.constant 0 : i32
      %dma_wait3A_75 = tpu.memref_slice %arg4[%dma_wait3A_73, %dma_wait3A_74] : memref<832x16384xf32, #tpu.memory_space<hbm>> -> memref<1x4096xf32, #tpu.memory_space<hbm>>
      %dma_wait3A_76 = tpu.memref_squeeze %dma_wait3A_75 : memref<1x4096xf32, #tpu.memory_space<hbm>> -> memref<4096xf32, #tpu.memory_space<hbm>>
      %dma_wait3A_77 = arith.constant 0 : i32
      %dma_wait3A_78 = tpu.memref_slice %arg4[%dma_wait3A_73, %dma_wait3A_77] : memref<832x16384xf32, #tpu.memory_space<hbm>> -> memref<1x4096xf32, #tpu.memory_space<hbm>>
      %dma_wait3A_79 = tpu.memref_squeeze %dma_wait3A_78 : memref<1x4096xf32, #tpu.memory_space<hbm>> -> memref<4096xf32, #tpu.memory_space<hbm>>
      tpu.wait_dma2 semaphore(%arg10 : memref<!tpu.dma_semaphore, #tpu.memory_space<semaphore_mem>>) src(%arg8 : memref<4096xf32, #tpu.memory_space<vmem>>) dst(%dma_wait3A_79 : memref<4096xf32, #tpu.memory_space<hbm>>)
      %parallel_loop3A_80 = arith.constant 0 : i32
      %parallel_loop3A_81 = arith.constant 4096 : i32
      %parallel_loop3A_82 = arith.constant 16 : i32
      scf.for %parallel_loop3A_121 = %parallel_loop3A_80 to %parallel_loop3A_81 step %parallel_loop3A_82  : i32 {
        %parallel_loop3A_122 = arith.constant 4096 : i32
        %parallel_loop3A_123 = arith.addi %parallel_loop3A_122, %parallel_loop3A_121 : i32
        %parallel_loop3A_124 = arith.index_cast %parallel_loop3A_123 : i32 to index
        %parallel_loop3A_125 = tpu.vector_load %arg5[%parallel_loop3A_124] {strides = array<i32>} : memref<16384xi32, #tpu.memory_space<vmem>>, vector<16xi32>,
        %parallel_loop3A_126 = tpu.vector_load_idx %arg6[%parallel_loop3A_125] : memref<100000xf32, #tpu.memory_space<vmem>>[vector<16xi32>], vector<16xf32>,
        %parallel_loop3A_127 = arith.index_cast %parallel_loop3A_121 : i32 to index
        %parallel_loop3A_128 = tpu.vector_load %arg8[%parallel_loop3A_127] {strides = array<i32>} : memref<4096xf32, #tpu.memory_space<vmem>>, vector<16xf32>,
        tpu.vector_store %arg8[%parallel_loop3A_127], %parallel_loop3A_126 {strides = array<i32>} : memref<4096xf32, #tpu.memory_space<vmem>>, vector<16xf32>,
      } {sc.loop_unroll_factor = 16 : i64, sc.parallel_access}
      %dma_start3A_83 = arith.constant 4096 : i32
      %dma_start3A_84 = tpu.memref_slice %arg4[%while3A_57, %dma_start3A_83] : memref<832x16384xf32, #tpu.memory_space<hbm>> -> memref<1x4096xf32, #tpu.memory_space<hbm>>
      %dma_start3A_85 = tpu.memref_squeeze %dma_start3A_84 : memref<1x4096xf32, #tpu.memory_space<hbm>> -> memref<4096xf32, #tpu.memory_space<hbm>>
      %dma_start3A_86 = arith.constant 4096 : i32
      %dma_start3A_87 = tpu.memref_slice %arg4[%while3A_57, %dma_start3A_86] : memref<832x16384xf32, #tpu.memory_space<hbm>> -> memref<1x4096xf32, #tpu.memory_space<hbm>>
      %dma_start3A_88 = tpu.memref_squeeze %dma_start3A_87 : memref<1x4096xf32, #tpu.memory_space<hbm>> -> memref<4096xf32, #tpu.memory_space<hbm>>
      tpu.enqueue_dma source(%arg8 : memref<4096xf32, #tpu.memory_space<vmem>>) target(%dma_start3A_88 : memref<4096xf32, #tpu.memory_space<hbm>>) target_semaphore(%arg10 : memref<!tpu.dma_semaphore, #tpu.memory_space<semaphore_mem>>)
      %dma_wait3A_89 = arith.constant 0 : i32
      %dma_wait3A_90 = arith.constant 0 : i32
      %dma_wait3A_91 = tpu.memref_slice %arg4[%dma_wait3A_89, %dma_wait3A_90] : memref<832x16384xf32, #tpu.memory_space<hbm>> -> memref<1x4096xf32, #tpu.memory_space<hbm>>
      %dma_wait3A_92 = tpu.memref_squeeze %dma_wait3A_91 : memref<1x4096xf32, #tpu.memory_space<hbm>> -> memref<4096xf32, #tpu.memory_space<hbm>>
      %dma_wait3A_93 = arith.constant 0 : i32
      %dma_wait3A_94 = tpu.memref_slice %arg4[%dma_wait3A_89, %dma_wait3A_93] : memref<832x16384xf32, #tpu.memory_space<hbm>> -> memref<1x4096xf32, #tpu.memory_space<hbm>>
      %dma_wait3A_95 = tpu.memref_squeeze %dma_wait3A_94 : memref<1x4096xf32, #tpu.memory_space<hbm>> -> memref<4096xf32, #tpu.memory_space<hbm>>
      tpu.wait_dma2 semaphore(%arg9 : memref<!tpu.dma_semaphore, #tpu.memory_space<semaphore_mem>>) src(%arg7 : memref<4096xf32, #tpu.memory_space<vmem>>) dst(%dma_wait3A_95 : memref<4096xf32, #tpu.memory_space<hbm>>)
      %parallel_loop3A_96 = arith.constant 0 : i32
      %parallel_loop3A_97 = arith.constant 4096 : i32
      %parallel_loop3A_98 = arith.constant 16 : i32
      scf.for %parallel_loop3A_121 = %parallel_loop3A_96 to %parallel_loop3A_97 step %parallel_loop3A_98  : i32 {
        %parallel_loop3A_122 = arith.constant 8192 : i32
        %parallel_loop3A_123 = arith.addi %parallel_loop3A_122, %parallel_loop3A_121 : i32
        %parallel_loop3A_124 = arith.index_cast %parallel_loop3A_123 : i32 to index
        %parallel_loop3A_125 = tpu.vector_load %arg5[%parallel_loop3A_124] {strides = array<i32>} : memref<16384xi32, #tpu.memory_space<vmem>>, vector<16xi32>,
        %parallel_loop3A_126 = tpu.vector_load_idx %arg6[%parallel_loop3A_125] : memref<100000xf32, #tpu.memory_space<vmem>>[vector<16xi32>], vector<16xf32>,
        %parallel_loop3A_127 = arith.index_cast %parallel_loop3A_121 : i32 to index
        %parallel_loop3A_128 = tpu.vector_load %arg7[%parallel_loop3A_127] {strides = array<i32>} : memref<4096xf32, #tpu.memory_space<vmem>>, vector<16xf32>,
        tpu.vector_store %arg7[%parallel_loop3A_127], %parallel_loop3A_126 {strides = array<i32>} : memref<4096xf32, #tpu.memory_space<vmem>>, vector<16xf32>,
      } {sc.loop_unroll_factor = 16 : i64, sc.parallel_access}
      %dma_start3A_99 = arith.constant 8192 : i32
      %dma_start3A_100 = tpu.memref_slice %arg4[%while3A_57, %dma_start3A_99] : memref<832x16384xf32, #tpu.memory_space<hbm>> -> memref<1x4096xf32, #tpu.memory_space<hbm>>
      %dma_start3A_101 = tpu.memref_squeeze %dma_start3A_100 : memref<1x4096xf32, #tpu.memory_space<hbm>> -> memref<4096xf32, #tpu.memory_space<hbm>>
      %dma_start3A_102 = arith.constant 8192 : i32
      %dma_start3A_103 = tpu.memref_slice %arg4[%while3A_57, %dma_start3A_102] : memref<832x16384xf32, #tpu.memory_space<hbm>> -> memref<1x4096xf32, #tpu.memory_space<hbm>>
      %dma_start3A_104 = tpu.memref_squeeze %dma_start3A_103 : memref<1x4096xf32, #tpu.memory_space<hbm>> -> memref<4096xf32, #tpu.memory_space<hbm>>
      tpu.enqueue_dma source(%arg7 : memref<4096xf32, #tpu.memory_space<vmem>>) target(%dma_start3A_104 : memref<4096xf32, #tpu.memory_space<hbm>>) target_semaphore(%arg9 : memref<!tpu.dma_semaphore, #tpu.memory_space<semaphore_mem>>)
      %dma_wait3A_105 = arith.constant 0 : i32
      %dma_wait3A_106 = arith.constant 0 : i32
      %dma_wait3A_107 = tpu.memref_slice %arg4[%dma_wait3A_105, %dma_wait3A_106] : memref<832x16384xf32, #tpu.memory_space<hbm>> -> memref<1x4096xf32, #tpu.memory_space<hbm>>
      %dma_wait3A_108 = tpu.memref_squeeze %dma_wait3A_107 : memref<1x4096xf32, #tpu.memory_space<hbm>> -> memref<4096xf32, #tpu.memory_space<hbm>>
      %dma_wait3A_109 = arith.constant 0 : i32
      %dma_wait3A_110 = tpu.memref_slice %arg4[%dma_wait3A_105, %dma_wait3A_109] : memref<832x16384xf32, #tpu.memory_space<hbm>> -> memref<1x4096xf32, #tpu.memory_space<hbm>>
      %dma_wait3A_111 = tpu.memref_squeeze %dma_wait3A_110 : memref<1x4096xf32, #tpu.memory_space<hbm>> -> memref<4096xf32, #tpu.memory_space<hbm>>
      tpu.wait_dma2 semaphore(%arg10 : memref<!tpu.dma_semaphore, #tpu.memory_space<semaphore_mem>>) src(%arg8 : memref<4096xf32, #tpu.memory_space<vmem>>) dst(%dma_wait3A_111 : memref<4096xf32, #tpu.memory_space<hbm>>)
      %parallel_loop3A_112 = arith.constant 0 : i32
      %parallel_loop3A_113 = arith.constant 4096 : i32
      %parallel_loop3A_114 = arith.constant 16 : i32
      scf.for %parallel_loop3A_121 = %parallel_loop3A_112 to %parallel_loop3A_113 step %parallel_loop3A_114  : i32 {
        %parallel_loop3A_122 = arith.constant 12288 : i32
        %parallel_loop3A_123 = arith.addi %parallel_loop3A_122, %parallel_loop3A_121 : i32
        %parallel_loop3A_124 = arith.index_cast %parallel_loop3A_123 : i32 to index
        %parallel_loop3A_125 = tpu.vector_load %arg5[%parallel_loop3A_124] {strides = array<i32>} : memref<16384xi32, #tpu.memory_space<vmem>>, vector<16xi32>,
        %parallel_loop3A_126 = tpu.vector_load_idx %arg6[%parallel_loop3A_125] : memref<100000xf32, #tpu.memory_space<vmem>>[vector<16xi32>], vector<16xf32>,
        %parallel_loop3A_127 = arith.index_cast %parallel_loop3A_121 : i32 to index
        %parallel_loop3A_128 = tpu.vector_load %arg8[%parallel_loop3A_127] {strides = array<i32>} : memref<4096xf32, #tpu.memory_space<vmem>>, vector<16xf32>,
        tpu.vector_store %arg8[%parallel_loop3A_127], %parallel_loop3A_126 {strides = array<i32>} : memref<4096xf32, #tpu.memory_space<vmem>>, vector<16xf32>,
      } {sc.loop_unroll_factor = 16 : i64, sc.parallel_access}
      %dma_start3A_115 = arith.constant 12288 : i32
      %dma_start3A_116 = tpu.memref_slice %arg4[%while3A_57, %dma_start3A_115] : memref<832x16384xf32, #tpu.memory_space<hbm>> -> memref<1x4096xf32, #tpu.memory_space<hbm>>
      %dma_start3A_117 = tpu.memref_squeeze %dma_start3A_116 : memref<1x4096xf32, #tpu.memory_space<hbm>> -> memref<4096xf32, #tpu.memory_space<hbm>>
      %dma_start3A_118 = arith.constant 12288 : i32
      %dma_start3A_119 = tpu.memref_slice %arg4[%while3A_57, %dma_start3A_118] : memref<832x16384xf32, #tpu.memory_space<hbm>> -> memref<1x4096xf32, #tpu.memory_space<hbm>>
      %dma_start3A_120 = tpu.memref_squeeze %dma_start3A_119 : memref<1x4096xf32, #tpu.memory_space<hbm>> -> memref<4096xf32, #tpu.memory_space<hbm>>
      tpu.enqueue_dma source(%arg8 : memref<4096xf32, #tpu.memory_space<vmem>>) target(%dma_start3A_120 : memref<4096xf32, #tpu.memory_space<hbm>>) target_semaphore(%arg10 : memref<!tpu.dma_semaphore, #tpu.memory_space<semaphore_mem>>)
    }
    %while3A_33 = arith.constant 1 : i32
    scf.for %while3A_57 = %while3A_31 to %while3A_27 step %while3A_33  : i32 {
      "tpu.region"() ({
        %run_scoped3A = tpu.sem_alloc : memref<!tpu.dma_semaphore, #tpu.memory_space<semaphore_mem>>
        %dma_start3A_121 = arith.constant 0 : i32
        %dma_start3A_122 = tpu.memref_slice %arg3[%while3A_57, %dma_start3A_121] : memref<832x100000xf32, #tpu.memory_space<hbm>> -> memref<1x100000xf32, #tpu.memory_space<hbm>>
        %dma_start3A_123 = tpu.memref_squeeze %dma_start3A_122 : memref<1x100000xf32, #tpu.memory_space<hbm>> -> memref<100000xf32, #tpu.memory_space<hbm>>
        %dma_start3A_124 = arith.constant 0 : i32
        %dma_start3A_125 = tpu.memref_slice %arg3[%while3A_57, %dma_start3A_124] : memref<832x100000xf32, #tpu.memory_space<hbm>> -> memref<1x100000xf32, #tpu.memory_space<hbm>>
        %dma_start3A_126 = tpu.memref_squeeze %dma_start3A_125 : memref<1x100000xf32, #tpu.memory_space<hbm>> -> memref<100000xf32, #tpu.memory_space<hbm>>
        tpu.enqueue_dma source(%dma_start3A_126 : memref<100000xf32, #tpu.memory_space<hbm>>) target(%arg6 : memref<100000xf32, #tpu.memory_space<vmem>>) target_semaphore(%run_scoped3A : memref<!tpu.dma_semaphore, #tpu.memory_space<semaphore_mem>>)
        %dma_wait3A_127 = arith.constant 0 : i32
        %dma_wait3A_128 = tpu.memref_slice %arg3[%while3A_57, %dma_wait3A_127] : memref<832x100000xf32, #tpu.memory_space<hbm>> -> memref<1x100000xf32, #tpu.memory_space<hbm>>
        %dma_wait3A_129 = tpu.memref_squeeze %dma_wait3A_128 : memref<1x100000xf32, #tpu.memory_space<hbm>> -> memref<100000xf32, #tpu.memory_space<hbm>>
        %dma_wait3A_130 = arith.constant 0 : i32
        %dma_wait3A_131 = tpu.memref_slice %arg3[%while3A_57, %dma_wait3A_130] : memref<832x100000xf32, #tpu.memory_space<hbm>> -> memref<1x100000xf32, #tpu.memory_space<hbm>>
        %dma_wait3A_132 = tpu.memref_squeeze %dma_wait3A_131 : memref<1x100000xf32, #tpu.memory_space<hbm>> -> memref<100000xf32, #tpu.memory_space<hbm>>
        tpu.wait_dma2 semaphore(%run_scoped3A : memref<!tpu.dma_semaphore, #tpu.memory_space<semaphore_mem>>) src(%dma_wait3A_132 : memref<100000xf32, #tpu.memory_space<hbm>>) dst(%arg6 : memref<100000xf32, #tpu.memory_space<vmem>>)
        tpu.yield
      }) : () -> ()
      %dma_wait3A_58 = arith.constant 0 : i32
      %dma_wait3A_59 = arith.constant 0 : i32
      %dma_wait3A_60 = tpu.memref_slice %arg4[%dma_wait3A_58, %dma_wait3A_59] : memref<832x16384xf32, #tpu.memory_space<hbm>> -> memref<1x4096xf32, #tpu.memory_space<hbm>>
      %dma_wait3A_61 = tpu.memref_squeeze %dma_wait3A_60 : memref<1x4096xf32, #tpu.memory_space<hbm>> -> memref<4096xf32, #tpu.memory_space<hbm>>
      %dma_wait3A_62 = arith.constant 0 : i32
      %dma_wait3A_63 = tpu.memref_slice %arg4[%dma_wait3A_58, %dma_wait3A_62] : memref<832x16384xf32, #tpu.memory_space<hbm>> -> memref<1x4096xf32, #tpu.memory_space<hbm>>
      %dma_wait3A_64 = tpu.memref_squeeze %dma_wait3A_63 : memref<1x4096xf32, #tpu.memory_space<hbm>> -> memref<4096xf32, #tpu.memory_space<hbm>>
      tpu.wait_dma2 semaphore(%arg9 : memref<!tpu.dma_semaphore, #tpu.memory_space<semaphore_mem>>) src(%arg7 : memref<4096xf32, #tpu.memory_space<vmem>>) dst(%dma_wait3A_64 : memref<4096xf32, #tpu.memory_space<hbm>>)
      %parallel_loop3A = arith.constant 0 : i32
      %parallel_loop3A_65 = arith.constant 4096 : i32
      %parallel_loop3A_66 = arith.constant 16 : i32
      scf.for %parallel_loop3A_121 = %parallel_loop3A to %parallel_loop3A_65 step %parallel_loop3A_66  : i32 {
        %parallel_loop3A_122 = arith.constant 0 : i32
        %parallel_loop3A_123 = arith.addi %parallel_loop3A_122, %parallel_loop3A_121 : i32
        %parallel_loop3A_124 = arith.index_cast %parallel_loop3A_123 : i32 to index
        %parallel_loop3A_125 = tpu.vector_load %arg5[%parallel_loop3A_124] {strides = array<i32>} : memref<16384xi32, #tpu.memory_space<vmem>>, vector<16xi32>,
        %parallel_loop3A_126 = tpu.vector_load_idx %arg6[%parallel_loop3A_125] : memref<100000xf32, #tpu.memory_space<vmem>>[vector<16xi32>], vector<16xf32>,
        %parallel_loop3A_127 = arith.index_cast %parallel_loop3A_121 : i32 to index
        %parallel_loop3A_128 = tpu.vector_load %arg7[%parallel_loop3A_127] {strides = array<i32>} : memref<4096xf32, #tpu.memory_space<vmem>>, vector<16xf32>,
        tpu.vector_store %arg7[%parallel_loop3A_127], %parallel_loop3A_126 {strides = array<i32>} : memref<4096xf32, #tpu.memory_space<vmem>>, vector<16xf32>,
      } {sc.loop_unroll_factor = 16 : i64, sc.parallel_access}
      %dma_start3A_67 = arith.constant 0 : i32
      %dma_start3A_68 = tpu.memref_slice %arg4[%while3A_57, %dma_start3A_67] : memref<832x16384xf32, #tpu.memory_space<hbm>> -> memref<1x4096xf32, #tpu.memory_space<hbm>>
      %dma_start3A_69 = tpu.memref_squeeze %dma_start3A_68 : memref<1x4096xf32, #tpu.memory_space<hbm>> -> memref<4096xf32, #tpu.memory_space<hbm>>
      %dma_start3A_70 = arith.constant 0 : i32
      %dma_start3A_71 = tpu.memref_slice %arg4[%while3A_57, %dma_start3A_70] : memref<832x16384xf32, #tpu.memory_space<hbm>> -> memref<1x4096xf32, #tpu.memory_space<hbm>>
      %dma_start3A_72 = tpu.memref_squeeze %dma_start3A_71 : memref<1x4096xf32, #tpu.memory_space<hbm>> -> memref<4096xf32, #tpu.memory_space<hbm>>
      tpu.enqueue_dma source(%arg7 : memref<4096xf32, #tpu.memory_space<vmem>>) target(%dma_start3A_72 : memref<4096xf32, #tpu.memory_space<hbm>>) target_semaphore(%arg9 : memref<!tpu.dma_semaphore, #tpu.memory_space<semaphore_mem>>)
      %dma_wait3A_73 = arith.constant 0 : i32
      %dma_wait3A_74 = arith.constant 0 : i32
      %dma_wait3A_75 = tpu.memref_slice %arg4[%dma_wait3A_73, %dma_wait3A_74] : memref<832x16384xf32, #tpu.memory_space<hbm>> -> memref<1x4096xf32, #tpu.memory_space<hbm>>
      %dma_wait3A_76 = tpu.memref_squeeze %dma_wait3A_75 : memref<1x4096xf32, #tpu.memory_space<hbm>> -> memref<4096xf32, #tpu.memory_space<hbm>>
      %dma_wait3A_77 = arith.constant 0 : i32
      %dma_wait3A_78 = tpu.memref_slice %arg4[%dma_wait3A_73, %dma_wait3A_77] : memref<832x16384xf32, #tpu.memory_space<hbm>> -> memref<1x4096xf32, #tpu.memory_space<hbm>>
      %dma_wait3A_79 = tpu.memref_squeeze %dma_wait3A_78 : memref<1x4096xf32, #tpu.memory_space<hbm>> -> memref<4096xf32, #tpu.memory_space<hbm>>
      tpu.wait_dma2 semaphore(%arg10 : memref<!tpu.dma_semaphore, #tpu.memory_space<semaphore_mem>>) src(%arg8 : memref<4096xf32, #tpu.memory_space<vmem>>) dst(%dma_wait3A_79 : memref<4096xf32, #tpu.memory_space<hbm>>)
      %parallel_loop3A_80 = arith.constant 0 : i32
      %parallel_loop3A_81 = arith.constant 4096 : i32
      %parallel_loop3A_82 = arith.constant 16 : i32
      scf.for %parallel_loop3A_121 = %parallel_loop3A_80 to %parallel_loop3A_81 step %parallel_loop3A_82  : i32 {
        %parallel_loop3A_122 = arith.constant 4096 : i32
        %parallel_loop3A_123 = arith.addi %parallel_loop3A_122, %parallel_loop3A_121 : i32
        %parallel_loop3A_124 = arith.index_cast %parallel_loop3A_123 : i32 to index
        %parallel_loop3A_125 = tpu.vector_load %arg5[%parallel_loop3A_124] {strides = array<i32>} : memref<16384xi32, #tpu.memory_space<vmem>>, vector<16xi32>,
        %parallel_loop3A_126 = tpu.vector_load_idx %arg6[%parallel_loop3A_125] : memref<100000xf32, #tpu.memory_space<vmem>>[vector<16xi32>], vector<16xf32>,
        %parallel_loop3A_127 = arith.index_cast %parallel_loop3A_121 : i32 to index
        %parallel_loop3A_128 = tpu.vector_load %arg8[%parallel_loop3A_127] {strides = array<i32>} : memref<4096xf32, #tpu.memory_space<vmem>>, vector<16xf32>,
        tpu.vector_store %arg8[%parallel_loop3A_127], %parallel_loop3A_126 {strides = array<i32>} : memref<4096xf32, #tpu.memory_space<vmem>>, vector<16xf32>,
      } {sc.loop_unroll_factor = 16 : i64, sc.parallel_access}
      %dma_start3A_83 = arith.constant 4096 : i32
      %dma_start3A_84 = tpu.memref_slice %arg4[%while3A_57, %dma_start3A_83] : memref<832x16384xf32, #tpu.memory_space<hbm>> -> memref<1x4096xf32, #tpu.memory_space<hbm>>
      %dma_start3A_85 = tpu.memref_squeeze %dma_start3A_84 : memref<1x4096xf32, #tpu.memory_space<hbm>> -> memref<4096xf32, #tpu.memory_space<hbm>>
      %dma_start3A_86 = arith.constant 4096 : i32
      %dma_start3A_87 = tpu.memref_slice %arg4[%while3A_57, %dma_start3A_86] : memref<832x16384xf32, #tpu.memory_space<hbm>> -> memref<1x4096xf32, #tpu.memory_space<hbm>>
      %dma_start3A_88 = tpu.memref_squeeze %dma_start3A_87 : memref<1x4096xf32, #tpu.memory_space<hbm>> -> memref<4096xf32, #tpu.memory_space<hbm>>
      tpu.enqueue_dma source(%arg8 : memref<4096xf32, #tpu.memory_space<vmem>>) target(%dma_start3A_88 : memref<4096xf32, #tpu.memory_space<hbm>>) target_semaphore(%arg10 : memref<!tpu.dma_semaphore, #tpu.memory_space<semaphore_mem>>)
      %dma_wait3A_89 = arith.constant 0 : i32
      %dma_wait3A_90 = arith.constant 0 : i32
      %dma_wait3A_91 = tpu.memref_slice %arg4[%dma_wait3A_89, %dma_wait3A_90] : memref<832x16384xf32, #tpu.memory_space<hbm>> -> memref<1x4096xf32, #tpu.memory_space<hbm>>
      %dma_wait3A_92 = tpu.memref_squeeze %dma_wait3A_91 : memref<1x4096xf32, #tpu.memory_space<hbm>> -> memref<4096xf32, #tpu.memory_space<hbm>>
      %dma_wait3A_93 = arith.constant 0 : i32
      %dma_wait3A_94 = tpu.memref_slice %arg4[%dma_wait3A_89, %dma_wait3A_93] : memref<832x16384xf32, #tpu.memory_space<hbm>> -> memref<1x4096xf32, #tpu.memory_space<hbm>>
      %dma_wait3A_95 = tpu.memref_squeeze %dma_wait3A_94 : memref<1x4096xf32, #tpu.memory_space<hbm>> -> memref<4096xf32, #tpu.memory_space<hbm>>
      tpu.wait_dma2 semaphore(%arg9 : memref<!tpu.dma_semaphore, #tpu.memory_space<semaphore_mem>>) src(%arg7 : memref<4096xf32, #tpu.memory_space<vmem>>) dst(%dma_wait3A_95 : memref<4096xf32, #tpu.memory_space<hbm>>)
      %parallel_loop3A_96 = arith.constant 0 : i32
      %parallel_loop3A_97 = arith.constant 4096 : i32
      %parallel_loop3A_98 = arith.constant 16 : i32
      scf.for %parallel_loop3A_121 = %parallel_loop3A_96 to %parallel_loop3A_97 step %parallel_loop3A_98  : i32 {
        %parallel_loop3A_122 = arith.constant 8192 : i32
        %parallel_loop3A_123 = arith.addi %parallel_loop3A_122, %parallel_loop3A_121 : i32
        %parallel_loop3A_124 = arith.index_cast %parallel_loop3A_123 : i32 to index
        %parallel_loop3A_125 = tpu.vector_load %arg5[%parallel_loop3A_124] {strides = array<i32>} : memref<16384xi32, #tpu.memory_space<vmem>>, vector<16xi32>,
        %parallel_loop3A_126 = tpu.vector_load_idx %arg6[%parallel_loop3A_125] : memref<100000xf32, #tpu.memory_space<vmem>>[vector<16xi32>], vector<16xf32>,
        %parallel_loop3A_127 = arith.index_cast %parallel_loop3A_121 : i32 to index
        %parallel_loop3A_128 = tpu.vector_load %arg7[%parallel_loop3A_127] {strides = array<i32>} : memref<4096xf32, #tpu.memory_space<vmem>>, vector<16xf32>,
        tpu.vector_store %arg7[%parallel_loop3A_127], %parallel_loop3A_126 {strides = array<i32>} : memref<4096xf32, #tpu.memory_space<vmem>>, vector<16xf32>,
      } {sc.loop_unroll_factor = 16 : i64, sc.parallel_access}
      %dma_start3A_99 = arith.constant 8192 : i32
      %dma_start3A_100 = tpu.memref_slice %arg4[%while3A_57, %dma_start3A_99] : memref<832x16384xf32, #tpu.memory_space<hbm>> -> memref<1x4096xf32, #tpu.memory_space<hbm>>
      %dma_start3A_101 = tpu.memref_squeeze %dma_start3A_100 : memref<1x4096xf32, #tpu.memory_space<hbm>> -> memref<4096xf32, #tpu.memory_space<hbm>>
      %dma_start3A_102 = arith.constant 8192 : i32
      %dma_start3A_103 = tpu.memref_slice %arg4[%while3A_57, %dma_start3A_102] : memref<832x16384xf32, #tpu.memory_space<hbm>> -> memref<1x4096xf32, #tpu.memory_space<hbm>>
      %dma_start3A_104 = tpu.memref_squeeze %dma_start3A_103 : memref<1x4096xf32, #tpu.memory_space<hbm>> -> memref<4096xf32, #tpu.memory_space<hbm>>
      tpu.enqueue_dma source(%arg7 : memref<4096xf32, #tpu.memory_space<vmem>>) target(%dma_start3A_104 : memref<4096xf32, #tpu.memory_space<hbm>>) target_semaphore(%arg9 : memref<!tpu.dma_semaphore, #tpu.memory_space<semaphore_mem>>)
      %dma_wait3A_105 = arith.constant 0 : i32
      %dma_wait3A_106 = arith.constant 0 : i32
      %dma_wait3A_107 = tpu.memref_slice %arg4[%dma_wait3A_105, %dma_wait3A_106] : memref<832x16384xf32, #tpu.memory_space<hbm>> -> memref<1x4096xf32, #tpu.memory_space<hbm>>
      %dma_wait3A_108 = tpu.memref_squeeze %dma_wait3A_107 : memref<1x4096xf32, #tpu.memory_space<hbm>> -> memref<4096xf32, #tpu.memory_space<hbm>>
      %dma_wait3A_109 = arith.constant 0 : i32
      %dma_wait3A_110 = tpu.memref_slice %arg4[%dma_wait3A_105, %dma_wait3A_109] : memref<832x16384xf32, #tpu.memory_space<hbm>> -> memref<1x4096xf32, #tpu.memory_space<hbm>>
      %dma_wait3A_111 = tpu.memref_squeeze %dma_wait3A_110 : memref<1x4096xf32, #tpu.memory_space<hbm>> -> memref<4096xf32, #tpu.memory_space<hbm>>
      tpu.wait_dma2 semaphore(%arg10 : memref<!tpu.dma_semaphore, #tpu.memory_space<semaphore_mem>>) src(%arg8 : memref<4096xf32, #tpu.memory_space<vmem>>) dst(%dma_wait3A_111 : memref<4096xf32, #tpu.memory_space<hbm>>)
      %parallel_loop3A_112 = arith.constant 0 : i32
      %parallel_loop3A_113 = arith.constant 4096 : i32
      %parallel_loop3A_114 = arith.constant 16 : i32
      scf.for %parallel_loop3A_121 = %parallel_loop3A_112 to %parallel_loop3A_113 step %parallel_loop3A_114  : i32 {
        %parallel_loop3A_122 = arith.constant 12288 : i32
        %parallel_loop3A_123 = arith.addi %parallel_loop3A_122, %parallel_loop3A_121 : i32
        %parallel_loop3A_124 = arith.index_cast %parallel_loop3A_123 : i32 to index
        %parallel_loop3A_125 = tpu.vector_load %arg5[%parallel_loop3A_124] {strides = array<i32>} : memref<16384xi32, #tpu.memory_space<vmem>>, vector<16xi32>,
        %parallel_loop3A_126 = tpu.vector_load_idx %arg6[%parallel_loop3A_125] : memref<100000xf32, #tpu.memory_space<vmem>>[vector<16xi32>], vector<16xf32>,
        %parallel_loop3A_127 = arith.index_cast %parallel_loop3A_121 : i32 to index
        %parallel_loop3A_128 = tpu.vector_load %arg8[%parallel_loop3A_127] {strides = array<i32>} : memref<4096xf32, #tpu.memory_space<vmem>>, vector<16xf32>,
        tpu.vector_store %arg8[%parallel_loop3A_127], %parallel_loop3A_126 {strides = array<i32>} : memref<4096xf32, #tpu.memory_space<vmem>>, vector<16xf32>,
      } {sc.loop_unroll_factor = 16 : i64, sc.parallel_access}
      %dma_start3A_115 = arith.constant 12288 : i32
      %dma_start3A_116 = tpu.memref_slice %arg4[%while3A_57, %dma_start3A_115] : memref<832x16384xf32, #tpu.memory_space<hbm>> -> memref<1x4096xf32, #tpu.memory_space<hbm>>
      %dma_start3A_117 = tpu.memref_squeeze %dma_start3A_116 : memref<1x4096xf32, #tpu.memory_space<hbm>> -> memref<4096xf32, #tpu.memory_space<hbm>>
      %dma_start3A_118 = arith.constant 12288 : i32
      %dma_start3A_119 = tpu.memref_slice %arg4[%while3A_57, %dma_start3A_118] : memref<832x16384xf32, #tpu.memory_space<hbm>> -> memref<1x4096xf32, #tpu.memory_space<hbm>>
      %dma_start3A_120 = tpu.memref_squeeze %dma_start3A_119 : memref<1x4096xf32, #tpu.memory_space<hbm>> -> memref<4096xf32, #tpu.memory_space<hbm>>
      tpu.enqueue_dma source(%arg8 : memref<4096xf32, #tpu.memory_space<vmem>>) target(%dma_start3A_120 : memref<4096xf32, #tpu.memory_space<hbm>>) target_semaphore(%arg10 : memref<!tpu.dma_semaphore, #tpu.memory_space<semaphore_mem>>)
    }
    %lt3A = arith.cmpi slt, %min3A, %add3A_4 : i32
    %convert_element_type3A = arith.extui %lt3A : i1 to i32
    %cond3A = arith.constant 0 : i32
    %cond3A_34 = arith.cmpi ne, %convert_element_type3A, %cond3A : i32
    scf.if %cond3A_34 {
      %div3A_57 = arith.constant 32 : i32
      %div3A_58 = arith.divsi %min3A, %div3A_57 : i32
      "tpu.region"() ({
        %run_scoped3A = tpu.sem_alloc : memref<!tpu.dma_semaphore, #tpu.memory_space<semaphore_mem>>
        %dma_start3A_59 = arith.constant 0 : i32
        %dma_start3A_60 = tpu.memref_slice %arg2[%div3A_58, %dma_start3A_59] : memref<26x16384xi32, #tpu.memory_space<hbm>> -> memref<1x16384xi32, #tpu.memory_space<hbm>>
        %dma_start3A_61 = tpu.memref_squeeze %dma_start3A_60 : memref<1x16384xi32, #tpu.memory_space<hbm>> -> memref<16384xi32, #tpu.memory_space<hbm>>
        %dma_start3A_62 = arith.constant 0 : i32
        %dma_start3A_63 = tpu.memref_slice %arg2[%div3A_58, %dma_start3A_62] : memref<26x16384xi32, #tpu.memory_space<hbm>> -> memref<1x16384xi32, #tpu.memory_space<hbm>>
        %dma_start3A_64 = tpu.memref_squeeze %dma_start3A_63 : memref<1x16384xi32, #tpu.memory_space<hbm>> -> memref<16384xi32, #tpu.memory_space<hbm>>
        tpu.enqueue_dma source(%dma_start3A_64 : memref<16384xi32, #tpu.memory_space<hbm>>) target(%arg5 : memref<16384xi32, #tpu.memory_space<vmem>>) target_semaphore(%run_scoped3A : memref<!tpu.dma_semaphore, #tpu.memory_space<semaphore_mem>>)
        %dma_wait3A_65 = arith.constant 0 : i32
        %dma_wait3A_66 = tpu.memref_slice %arg2[%div3A_58, %dma_wait3A_65] : memref<26x16384xi32, #tpu.memory_space<hbm>> -> memref<1x16384xi32, #tpu.memory_space<hbm>>
        %dma_wait3A_67 = tpu.memref_squeeze %dma_wait3A_66 : memref<1x16384xi32, #tpu.memory_space<hbm>> -> memref<16384xi32, #tpu.memory_space<hbm>>
        %dma_wait3A_68 = arith.constant 0 : i32
        %dma_wait3A_69 = tpu.memref_slice %arg2[%div3A_58, %dma_wait3A_68] : memref<26x16384xi32, #tpu.memory_space<hbm>> -> memref<1x16384xi32, #tpu.memory_space<hbm>>
        %dma_wait3A_70 = tpu.memref_squeeze %dma_wait3A_69 : memref<1x16384xi32, #tpu.memory_space<hbm>> -> memref<16384xi32, #tpu.memory_space<hbm>>
        tpu.wait_dma2 semaphore(%run_scoped3A : memref<!tpu.dma_semaphore, #tpu.memory_space<semaphore_mem>>) src(%dma_wait3A_70 : memref<16384xi32, #tpu.memory_space<hbm>>) dst(%arg5 : memref<16384xi32, #tpu.memory_space<vmem>>)
        tpu.yield
      }) : () -> ()
    } else {
    }
    %while3A_35 = arith.constant 0 : i32
    %while3A_36 = arith.subi %add3A_4, %min3A : i32
    %while3A_37 = arith.addi %min3A, %while3A_36 : i32
    %while3A_38 = arith.constant 1 : i32
    %while3A_39 = arith.divsi %while3A_36, %while3A_38 : i32
    %while3A_40 = arith.muli %while3A_39, %while3A_38 : i32
    %while3A_41 = arith.addi %min3A, %while3A_40 : i32
    %while3A_42 = arith.constant 1 : i32
    scf.for %while3A_57 = %min3A to %while3A_41 step %while3A_42  : i32 {
      "tpu.region"() ({
        %run_scoped3A = tpu.sem_alloc : memref<!tpu.dma_semaphore, #tpu.memory_space<semaphore_mem>>
        %dma_start3A_121 = arith.constant 0 : i32
        %dma_start3A_122 = tpu.memref_slice %arg3[%while3A_57, %dma_start3A_121] : memref<832x100000xf32, #tpu.memory_space<hbm>> -> memref<1x100000xf32, #tpu.memory_space<hbm>>
        %dma_start3A_123 = tpu.memref_squeeze %dma_start3A_122 : memref<1x100000xf32, #tpu.memory_space<hbm>> -> memref<100000xf32, #tpu.memory_space<hbm>>
        %dma_start3A_124 = arith.constant 0 : i32
        %dma_start3A_125 = tpu.memref_slice %arg3[%while3A_57, %dma_start3A_124] : memref<832x100000xf32, #tpu.memory_space<hbm>> -> memref<1x100000xf32, #tpu.memory_space<hbm>>
        %dma_start3A_126 = tpu.memref_squeeze %dma_start3A_125 : memref<1x100000xf32, #tpu.memory_space<hbm>> -> memref<100000xf32, #tpu.memory_space<hbm>>
        tpu.enqueue_dma source(%dma_start3A_126 : memref<100000xf32, #tpu.memory_space<hbm>>) target(%arg6 : memref<100000xf32, #tpu.memory_space<vmem>>) target_semaphore(%run_scoped3A : memref<!tpu.dma_semaphore, #tpu.memory_space<semaphore_mem>>)
        %dma_wait3A_127 = arith.constant 0 : i32
        %dma_wait3A_128 = tpu.memref_slice %arg3[%while3A_57, %dma_wait3A_127] : memref<832x100000xf32, #tpu.memory_space<hbm>> -> memref<1x100000xf32, #tpu.memory_space<hbm>>
        %dma_wait3A_129 = tpu.memref_squeeze %dma_wait3A_128 : memref<1x100000xf32, #tpu.memory_space<hbm>> -> memref<100000xf32, #tpu.memory_space<hbm>>
        %dma_wait3A_130 = arith.constant 0 : i32
        %dma_wait3A_131 = tpu.memref_slice %arg3[%while3A_57, %dma_wait3A_130] : memref<832x100000xf32, #tpu.memory_space<hbm>> -> memref<1x100000xf32, #tpu.memory_space<hbm>>
        %dma_wait3A_132 = tpu.memref_squeeze %dma_wait3A_131 : memref<1x100000xf32, #tpu.memory_space<hbm>> -> memref<100000xf32, #tpu.memory_space<hbm>>
        tpu.wait_dma2 semaphore(%run_scoped3A : memref<!tpu.dma_semaphore, #tpu.memory_space<semaphore_mem>>) src(%dma_wait3A_132 : memref<100000xf32, #tpu.memory_space<hbm>>) dst(%arg6 : memref<100000xf32, #tpu.memory_space<vmem>>)
        tpu.yield
      }) : () -> ()
      %dma_wait3A_58 = arith.constant 0 : i32
      %dma_wait3A_59 = arith.constant 0 : i32
      %dma_wait3A_60 = tpu.memref_slice %arg4[%dma_wait3A_58, %dma_wait3A_59] : memref<832x16384xf32, #tpu.memory_space<hbm>> -> memref<1x4096xf32, #tpu.memory_space<hbm>>
      %dma_wait3A_61 = tpu.memref_squeeze %dma_wait3A_60 : memref<1x4096xf32, #tpu.memory_space<hbm>> -> memref<4096xf32, #tpu.memory_space<hbm>>
      %dma_wait3A_62 = arith.constant 0 : i32
      %dma_wait3A_63 = tpu.memref_slice %arg4[%dma_wait3A_58, %dma_wait3A_62] : memref<832x16384xf32, #tpu.memory_space<hbm>> -> memref<1x4096xf32, #tpu.memory_space<hbm>>
      %dma_wait3A_64 = tpu.memref_squeeze %dma_wait3A_63 : memref<1x4096xf32, #tpu.memory_space<hbm>> -> memref<4096xf32, #tpu.memory_space<hbm>>
      tpu.wait_dma2 semaphore(%arg9 : memref<!tpu.dma_semaphore, #tpu.memory_space<semaphore_mem>>) src(%arg7 : memref<4096xf32, #tpu.memory_space<vmem>>) dst(%dma_wait3A_64 : memref<4096xf32, #tpu.memory_space<hbm>>)
      %parallel_loop3A = arith.constant 0 : i32
      %parallel_loop3A_65 = arith.constant 4096 : i32
      %parallel_loop3A_66 = arith.constant 16 : i32
      scf.for %parallel_loop3A_121 = %parallel_loop3A to %parallel_loop3A_65 step %parallel_loop3A_66  : i32 {
        %parallel_loop3A_122 = arith.constant 0 : i32
        %parallel_loop3A_123 = arith.addi %parallel_loop3A_122, %parallel_loop3A_121 : i32
        %parallel_loop3A_124 = arith.index_cast %parallel_loop3A_123 : i32 to index
        %parallel_loop3A_125 = tpu.vector_load %arg5[%parallel_loop3A_124] {strides = array<i32>} : memref<16384xi32, #tpu.memory_space<vmem>>, vector<16xi32>,
        %parallel_loop3A_126 = tpu.vector_load_idx %arg6[%parallel_loop3A_125] : memref<100000xf32, #tpu.memory_space<vmem>>[vector<16xi32>], vector<16xf32>,
        %parallel_loop3A_127 = arith.index_cast %parallel_loop3A_121 : i32 to index
        %parallel_loop3A_128 = tpu.vector_load %arg7[%parallel_loop3A_127] {strides = array<i32>} : memref<4096xf32, #tpu.memory_space<vmem>>, vector<16xf32>,
        tpu.vector_store %arg7[%parallel_loop3A_127], %parallel_loop3A_126 {strides = array<i32>} : memref<4096xf32, #tpu.memory_space<vmem>>, vector<16xf32>,
      } {sc.loop_unroll_factor = 16 : i64, sc.parallel_access}
      %dma_start3A_67 = arith.constant 0 : i32
      %dma_start3A_68 = tpu.memref_slice %arg4[%while3A_57, %dma_start3A_67] : memref<832x16384xf32, #tpu.memory_space<hbm>> -> memref<1x4096xf32, #tpu.memory_space<hbm>>
      %dma_start3A_69 = tpu.memref_squeeze %dma_start3A_68 : memref<1x4096xf32, #tpu.memory_space<hbm>> -> memref<4096xf32, #tpu.memory_space<hbm>>
      %dma_start3A_70 = arith.constant 0 : i32
      %dma_start3A_71 = tpu.memref_slice %arg4[%while3A_57, %dma_start3A_70] : memref<832x16384xf32, #tpu.memory_space<hbm>> -> memref<1x4096xf32, #tpu.memory_space<hbm>>
      %dma_start3A_72 = tpu.memref_squeeze %dma_start3A_71 : memref<1x4096xf32, #tpu.memory_space<hbm>> -> memref<4096xf32, #tpu.memory_space<hbm>>
      tpu.enqueue_dma source(%arg7 : memref<4096xf32, #tpu.memory_space<vmem>>) target(%dma_start3A_72 : memref<4096xf32, #tpu.memory_space<hbm>>) target_semaphore(%arg9 : memref<!tpu.dma_semaphore, #tpu.memory_space<semaphore_mem>>)
      %dma_wait3A_73 = arith.constant 0 : i32
      %dma_wait3A_74 = arith.constant 0 : i32
      %dma_wait3A_75 = tpu.memref_slice %arg4[%dma_wait3A_73, %dma_wait3A_74] : memref<832x16384xf32, #tpu.memory_space<hbm>> -> memref<1x4096xf32, #tpu.memory_space<hbm>>
      %dma_wait3A_76 = tpu.memref_squeeze %dma_wait3A_75 : memref<1x4096xf32, #tpu.memory_space<hbm>> -> memref<4096xf32, #tpu.memory_space<hbm>>
      %dma_wait3A_77 = arith.constant 0 : i32
      %dma_wait3A_78 = tpu.memref_slice %arg4[%dma_wait3A_73, %dma_wait3A_77] : memref<832x16384xf32, #tpu.memory_space<hbm>> -> memref<1x4096xf32, #tpu.memory_space<hbm>>
      %dma_wait3A_79 = tpu.memref_squeeze %dma_wait3A_78 : memref<1x4096xf32, #tpu.memory_space<hbm>> -> memref<4096xf32, #tpu.memory_space<hbm>>
      tpu.wait_dma2 semaphore(%arg10 : memref<!tpu.dma_semaphore, #tpu.memory_space<semaphore_mem>>) src(%arg8 : memref<4096xf32, #tpu.memory_space<vmem>>) dst(%dma_wait3A_79 : memref<4096xf32, #tpu.memory_space<hbm>>)
      %parallel_loop3A_80 = arith.constant 0 : i32
      %parallel_loop3A_81 = arith.constant 4096 : i32
      %parallel_loop3A_82 = arith.constant 16 : i32
      scf.for %parallel_loop3A_121 = %parallel_loop3A_80 to %parallel_loop3A_81 step %parallel_loop3A_82  : i32 {
        %parallel_loop3A_122 = arith.constant 4096 : i32
        %parallel_loop3A_123 = arith.addi %parallel_loop3A_122, %parallel_loop3A_121 : i32
        %parallel_loop3A_124 = arith.index_cast %parallel_loop3A_123 : i32 to index
        %parallel_loop3A_125 = tpu.vector_load %arg5[%parallel_loop3A_124] {strides = array<i32>} : memref<16384xi32, #tpu.memory_space<vmem>>, vector<16xi32>,
        %parallel_loop3A_126 = tpu.vector_load_idx %arg6[%parallel_loop3A_125] : memref<100000xf32, #tpu.memory_space<vmem>>[vector<16xi32>], vector<16xf32>,
        %parallel_loop3A_127 = arith.index_cast %parallel_loop3A_121 : i32 to index
        %parallel_loop3A_128 = tpu.vector_load %arg8[%parallel_loop3A_127] {strides = array<i32>} : memref<4096xf32, #tpu.memory_space<vmem>>, vector<16xf32>,
        tpu.vector_store %arg8[%parallel_loop3A_127], %parallel_loop3A_126 {strides = array<i32>} : memref<4096xf32, #tpu.memory_space<vmem>>, vector<16xf32>,
      } {sc.loop_unroll_factor = 16 : i64, sc.parallel_access}
      %dma_start3A_83 = arith.constant 4096 : i32
      %dma_start3A_84 = tpu.memref_slice %arg4[%while3A_57, %dma_start3A_83] : memref<832x16384xf32, #tpu.memory_space<hbm>> -> memref<1x4096xf32, #tpu.memory_space<hbm>>
      %dma_start3A_85 = tpu.memref_squeeze %dma_start3A_84 : memref<1x4096xf32, #tpu.memory_space<hbm>> -> memref<4096xf32, #tpu.memory_space<hbm>>
      %dma_start3A_86 = arith.constant 4096 : i32
      %dma_start3A_87 = tpu.memref_slice %arg4[%while3A_57, %dma_start3A_86] : memref<832x16384xf32, #tpu.memory_space<hbm>> -> memref<1x4096xf32, #tpu.memory_space<hbm>>
      %dma_start3A_88 = tpu.memref_squeeze %dma_start3A_87 : memref<1x4096xf32, #tpu.memory_space<hbm>> -> memref<4096xf32, #tpu.memory_space<hbm>>
      tpu.enqueue_dma source(%arg8 : memref<4096xf32, #tpu.memory_space<vmem>>) target(%dma_start3A_88 : memref<4096xf32, #tpu.memory_space<hbm>>) target_semaphore(%arg10 : memref<!tpu.dma_semaphore, #tpu.memory_space<semaphore_mem>>)
      %dma_wait3A_89 = arith.constant 0 : i32
      %dma_wait3A_90 = arith.constant 0 : i32
      %dma_wait3A_91 = tpu.memref_slice %arg4[%dma_wait3A_89, %dma_wait3A_90] : memref<832x16384xf32, #tpu.memory_space<hbm>> -> memref<1x4096xf32, #tpu.memory_space<hbm>>
      %dma_wait3A_92 = tpu.memref_squeeze %dma_wait3A_91 : memref<1x4096xf32, #tpu.memory_space<hbm>> -> memref<4096xf32, #tpu.memory_space<hbm>>
      %dma_wait3A_93 = arith.constant 0 : i32
      %dma_wait3A_94 = tpu.memref_slice %arg4[%dma_wait3A_89, %dma_wait3A_93] : memref<832x16384xf32, #tpu.memory_space<hbm>> -> memref<1x4096xf32, #tpu.memory_space<hbm>>
      %dma_wait3A_95 = tpu.memref_squeeze %dma_wait3A_94 : memref<1x4096xf32, #tpu.memory_space<hbm>> -> memref<4096xf32, #tpu.memory_space<hbm>>
      tpu.wait_dma2 semaphore(%arg9 : memref<!tpu.dma_semaphore, #tpu.memory_space<semaphore_mem>>) src(%arg7 : memref<4096xf32, #tpu.memory_space<vmem>>) dst(%dma_wait3A_95 : memref<4096xf32, #tpu.memory_space<hbm>>)
      %parallel_loop3A_96 = arith.constant 0 : i32
      %parallel_loop3A_97 = arith.constant 4096 : i32
      %parallel_loop3A_98 = arith.constant 16 : i32
      scf.for %parallel_loop3A_121 = %parallel_loop3A_96 to %parallel_loop3A_97 step %parallel_loop3A_98  : i32 {
        %parallel_loop3A_122 = arith.constant 8192 : i32
        %parallel_loop3A_123 = arith.addi %parallel_loop3A_122, %parallel_loop3A_121 : i32
        %parallel_loop3A_124 = arith.index_cast %parallel_loop3A_123 : i32 to index
        %parallel_loop3A_125 = tpu.vector_load %arg5[%parallel_loop3A_124] {strides = array<i32>} : memref<16384xi32, #tpu.memory_space<vmem>>, vector<16xi32>,
        %parallel_loop3A_126 = tpu.vector_load_idx %arg6[%parallel_loop3A_125] : memref<100000xf32, #tpu.memory_space<vmem>>[vector<16xi32>], vector<16xf32>,
        %parallel_loop3A_127 = arith.index_cast %parallel_loop3A_121 : i32 to index
        %parallel_loop3A_128 = tpu.vector_load %arg7[%parallel_loop3A_127] {strides = array<i32>} : memref<4096xf32, #tpu.memory_space<vmem>>, vector<16xf32>,
        tpu.vector_store %arg7[%parallel_loop3A_127], %parallel_loop3A_126 {strides = array<i32>} : memref<4096xf32, #tpu.memory_space<vmem>>, vector<16xf32>,
      } {sc.loop_unroll_factor = 16 : i64, sc.parallel_access}
      %dma_start3A_99 = arith.constant 8192 : i32
      %dma_start3A_100 = tpu.memref_slice %arg4[%while3A_57, %dma_start3A_99] : memref<832x16384xf32, #tpu.memory_space<hbm>> -> memref<1x4096xf32, #tpu.memory_space<hbm>>
      %dma_start3A_101 = tpu.memref_squeeze %dma_start3A_100 : memref<1x4096xf32, #tpu.memory_space<hbm>> -> memref<4096xf32, #tpu.memory_space<hbm>>
      %dma_start3A_102 = arith.constant 8192 : i32
      %dma_start3A_103 = tpu.memref_slice %arg4[%while3A_57, %dma_start3A_102] : memref<832x16384xf32, #tpu.memory_space<hbm>> -> memref<1x4096xf32, #tpu.memory_space<hbm>>
      %dma_start3A_104 = tpu.memref_squeeze %dma_start3A_103 : memref<1x4096xf32, #tpu.memory_space<hbm>> -> memref<4096xf32, #tpu.memory_space<hbm>>
      tpu.enqueue_dma source(%arg7 : memref<4096xf32, #tpu.memory_space<vmem>>) target(%dma_start3A_104 : memref<4096xf32, #tpu.memory_space<hbm>>) target_semaphore(%arg9 : memref<!tpu.dma_semaphore, #tpu.memory_space<semaphore_mem>>)
      %dma_wait3A_105 = arith.constant 0 : i32
      %dma_wait3A_106 = arith.constant 0 : i32
      %dma_wait3A_107 = tpu.memref_slice %arg4[%dma_wait3A_105, %dma_wait3A_106] : memref<832x16384xf32, #tpu.memory_space<hbm>> -> memref<1x4096xf32, #tpu.memory_space<hbm>>
      %dma_wait3A_108 = tpu.memref_squeeze %dma_wait3A_107 : memref<1x4096xf32, #tpu.memory_space<hbm>> -> memref<4096xf32, #tpu.memory_space<hbm>>
      %dma_wait3A_109 = arith.constant 0 : i32
      %dma_wait3A_110 = tpu.memref_slice %arg4[%dma_wait3A_105, %dma_wait3A_109] : memref<832x16384xf32, #tpu.memory_space<hbm>> -> memref<1x4096xf32, #tpu.memory_space<hbm>>
      %dma_wait3A_111 = tpu.memref_squeeze %dma_wait3A_110 : memref<1x4096xf32, #tpu.memory_space<hbm>> -> memref<4096xf32, #tpu.memory_space<hbm>>
      tpu.wait_dma2 semaphore(%arg10 : memref<!tpu.dma_semaphore, #tpu.memory_space<semaphore_mem>>) src(%arg8 : memref<4096xf32, #tpu.memory_space<vmem>>) dst(%dma_wait3A_111 : memref<4096xf32, #tpu.memory_space<hbm>>)
      %parallel_loop3A_112 = arith.constant 0 : i32
      %parallel_loop3A_113 = arith.constant 4096 : i32
      %parallel_loop3A_114 = arith.constant 16 : i32
      scf.for %parallel_loop3A_121 = %parallel_loop3A_112 to %parallel_loop3A_113 step %parallel_loop3A_114  : i32 {
        %parallel_loop3A_122 = arith.constant 12288 : i32
        %parallel_loop3A_123 = arith.addi %parallel_loop3A_122, %parallel_loop3A_121 : i32
        %parallel_loop3A_124 = arith.index_cast %parallel_loop3A_123 : i32 to index
        %parallel_loop3A_125 = tpu.vector_load %arg5[%parallel_loop3A_124] {strides = array<i32>} : memref<16384xi32, #tpu.memory_space<vmem>>, vector<16xi32>,
        %parallel_loop3A_126 = tpu.vector_load_idx %arg6[%parallel_loop3A_125] : memref<100000xf32, #tpu.memory_space<vmem>>[vector<16xi32>], vector<16xf32>,
        %parallel_loop3A_127 = arith.index_cast %parallel_loop3A_121 : i32 to index
        %parallel_loop3A_128 = tpu.vector_load %arg8[%parallel_loop3A_127] {strides = array<i32>} : memref<4096xf32, #tpu.memory_space<vmem>>, vector<16xf32>,
        tpu.vector_store %arg8[%parallel_loop3A_127], %parallel_loop3A_126 {strides = array<i32>} : memref<4096xf32, #tpu.memory_space<vmem>>, vector<16xf32>,
      } {sc.loop_unroll_factor = 16 : i64, sc.parallel_access}
      %dma_start3A_115 = arith.constant 12288 : i32
      %dma_start3A_116 = tpu.memref_slice %arg4[%while3A_57, %dma_start3A_115] : memref<832x16384xf32, #tpu.memory_space<hbm>> -> memref<1x4096xf32, #tpu.memory_space<hbm>>
      %dma_start3A_117 = tpu.memref_squeeze %dma_start3A_116 : memref<1x4096xf32, #tpu.memory_space<hbm>> -> memref<4096xf32, #tpu.memory_space<hbm>>
      %dma_start3A_118 = arith.constant 12288 : i32
      %dma_start3A_119 = tpu.memref_slice %arg4[%while3A_57, %dma_start3A_118] : memref<832x16384xf32, #tpu.memory_space<hbm>> -> memref<1x4096xf32, #tpu.memory_space<hbm>>
      %dma_start3A_120 = tpu.memref_squeeze %dma_start3A_119 : memref<1x4096xf32, #tpu.memory_space<hbm>> -> memref<4096xf32, #tpu.memory_space<hbm>>
      tpu.enqueue_dma source(%arg8 : memref<4096xf32, #tpu.memory_space<vmem>>) target(%dma_start3A_120 : memref<4096xf32, #tpu.memory_space<hbm>>) target_semaphore(%arg10 : memref<!tpu.dma_semaphore, #tpu.memory_space<semaphore_mem>>)
    }
    %while3A_43 = arith.constant 1 : i32
    scf.for %while3A_57 = %while3A_41 to %while3A_37 step %while3A_43  : i32 {
      "tpu.region"() ({
        %run_scoped3A = tpu.sem_alloc : memref<!tpu.dma_semaphore, #tpu.memory_space<semaphore_mem>>
        %dma_start3A_121 = arith.constant 0 : i32
        %dma_start3A_122 = tpu.memref_slice %arg3[%while3A_57, %dma_start3A_121] : memref<832x100000xf32, #tpu.memory_space<hbm>> -> memref<1x100000xf32, #tpu.memory_space<hbm>>
        %dma_start3A_123 = tpu.memref_squeeze %dma_start3A_122 : memref<1x100000xf32, #tpu.memory_space<hbm>> -> memref<100000xf32, #tpu.memory_space<hbm>>
        %dma_start3A_124 = arith.constant 0 : i32
        %dma_start3A_125 = tpu.memref_slice %arg3[%while3A_57, %dma_start3A_124] : memref<832x100000xf32, #tpu.memory_space<hbm>> -> memref<1x100000xf32, #tpu.memory_space<hbm>>
        %dma_start3A_126 = tpu.memref_squeeze %dma_start3A_125 : memref<1x100000xf32, #tpu.memory_space<hbm>> -> memref<100000xf32, #tpu.memory_space<hbm>>
        tpu.enqueue_dma source(%dma_start3A_126 : memref<100000xf32, #tpu.memory_space<hbm>>) target(%arg6 : memref<100000xf32, #tpu.memory_space<vmem>>) target_semaphore(%run_scoped3A : memref<!tpu.dma_semaphore, #tpu.memory_space<semaphore_mem>>)
        %dma_wait3A_127 = arith.constant 0 : i32
        %dma_wait3A_128 = tpu.memref_slice %arg3[%while3A_57, %dma_wait3A_127] : memref<832x100000xf32, #tpu.memory_space<hbm>> -> memref<1x100000xf32, #tpu.memory_space<hbm>>
        %dma_wait3A_129 = tpu.memref_squeeze %dma_wait3A_128 : memref<1x100000xf32, #tpu.memory_space<hbm>> -> memref<100000xf32, #tpu.memory_space<hbm>>
        %dma_wait3A_130 = arith.constant 0 : i32
        %dma_wait3A_131 = tpu.memref_slice %arg3[%while3A_57, %dma_wait3A_130] : memref<832x100000xf32, #tpu.memory_space<hbm>> -> memref<1x100000xf32, #tpu.memory_space<hbm>>
        %dma_wait3A_132 = tpu.memref_squeeze %dma_wait3A_131 : memref<1x100000xf32, #tpu.memory_space<hbm>> -> memref<100000xf32, #tpu.memory_space<hbm>>
        tpu.wait_dma2 semaphore(%run_scoped3A : memref<!tpu.dma_semaphore, #tpu.memory_space<semaphore_mem>>) src(%dma_wait3A_132 : memref<100000xf32, #tpu.memory_space<hbm>>) dst(%arg6 : memref<100000xf32, #tpu.memory_space<vmem>>)
        tpu.yield
      }) : () -> ()
      %dma_wait3A_58 = arith.constant 0 : i32
      %dma_wait3A_59 = arith.constant 0 : i32
      %dma_wait3A_60 = tpu.memref_slice %arg4[%dma_wait3A_58, %dma_wait3A_59] : memref<832x16384xf32, #tpu.memory_space<hbm>> -> memref<1x4096xf32, #tpu.memory_space<hbm>>
      %dma_wait3A_61 = tpu.memref_squeeze %dma_wait3A_60 : memref<1x4096xf32, #tpu.memory_space<hbm>> -> memref<4096xf32, #tpu.memory_space<hbm>>
      %dma_wait3A_62 = arith.constant 0 : i32
      %dma_wait3A_63 = tpu.memref_slice %arg4[%dma_wait3A_58, %dma_wait3A_62] : memref<832x16384xf32, #tpu.memory_space<hbm>> -> memref<1x4096xf32, #tpu.memory_space<hbm>>
      %dma_wait3A_64 = tpu.memref_squeeze %dma_wait3A_63 : memref<1x4096xf32, #tpu.memory_space<hbm>> -> memref<4096xf32, #tpu.memory_space<hbm>>
      tpu.wait_dma2 semaphore(%arg9 : memref<!tpu.dma_semaphore, #tpu.memory_space<semaphore_mem>>) src(%arg7 : memref<4096xf32, #tpu.memory_space<vmem>>) dst(%dma_wait3A_64 : memref<4096xf32, #tpu.memory_space<hbm>>)
      %parallel_loop3A = arith.constant 0 : i32
      %parallel_loop3A_65 = arith.constant 4096 : i32
      %parallel_loop3A_66 = arith.constant 16 : i32
      scf.for %parallel_loop3A_121 = %parallel_loop3A to %parallel_loop3A_65 step %parallel_loop3A_66  : i32 {
        %parallel_loop3A_122 = arith.constant 0 : i32
        %parallel_loop3A_123 = arith.addi %parallel_loop3A_122, %parallel_loop3A_121 : i32
        %parallel_loop3A_124 = arith.index_cast %parallel_loop3A_123 : i32 to index
        %parallel_loop3A_125 = tpu.vector_load %arg5[%parallel_loop3A_124] {strides = array<i32>} : memref<16384xi32, #tpu.memory_space<vmem>>, vector<16xi32>,
        %parallel_loop3A_126 = tpu.vector_load_idx %arg6[%parallel_loop3A_125] : memref<100000xf32, #tpu.memory_space<vmem>>[vector<16xi32>], vector<16xf32>,
        %parallel_loop3A_127 = arith.index_cast %parallel_loop3A_121 : i32 to index
        %parallel_loop3A_128 = tpu.vector_load %arg7[%parallel_loop3A_127] {strides = array<i32>} : memref<4096xf32, #tpu.memory_space<vmem>>, vector<16xf32>,
        tpu.vector_store %arg7[%parallel_loop3A_127], %parallel_loop3A_126 {strides = array<i32>} : memref<4096xf32, #tpu.memory_space<vmem>>, vector<16xf32>,
      } {sc.loop_unroll_factor = 16 : i64, sc.parallel_access}
      %dma_start3A_67 = arith.constant 0 : i32
      %dma_start3A_68 = tpu.memref_slice %arg4[%while3A_57, %dma_start3A_67] : memref<832x16384xf32, #tpu.memory_space<hbm>> -> memref<1x4096xf32, #tpu.memory_space<hbm>>
      %dma_start3A_69 = tpu.memref_squeeze %dma_start3A_68 : memref<1x4096xf32, #tpu.memory_space<hbm>> -> memref<4096xf32, #tpu.memory_space<hbm>>
      %dma_start3A_70 = arith.constant 0 : i32
      %dma_start3A_71 = tpu.memref_slice %arg4[%while3A_57, %dma_start3A_70] : memref<832x16384xf32, #tpu.memory_space<hbm>> -> memref<1x4096xf32, #tpu.memory_space<hbm>>
      %dma_start3A_72 = tpu.memref_squeeze %dma_start3A_71 : memref<1x4096xf32, #tpu.memory_space<hbm>> -> memref<4096xf32, #tpu.memory_space<hbm>>
      tpu.enqueue_dma source(%arg7 : memref<4096xf32, #tpu.memory_space<vmem>>) target(%dma_start3A_72 : memref<4096xf32, #tpu.memory_space<hbm>>) target_semaphore(%arg9 : memref<!tpu.dma_semaphore, #tpu.memory_space<semaphore_mem>>)
      %dma_wait3A_73 = arith.constant 0 : i32
      %dma_wait3A_74 = arith.constant 0 : i32
      %dma_wait3A_75 = tpu.memref_slice %arg4[%dma_wait3A_73, %dma_wait3A_74] : memref<832x16384xf32, #tpu.memory_space<hbm>> -> memref<1x4096xf32, #tpu.memory_space<hbm>>
      %dma_wait3A_76 = tpu.memref_squeeze %dma_wait3A_75 : memref<1x4096xf32, #tpu.memory_space<hbm>> -> memref<4096xf32, #tpu.memory_space<hbm>>
      %dma_wait3A_77 = arith.constant 0 : i32
      %dma_wait3A_78 = tpu.memref_slice %arg4[%dma_wait3A_73, %dma_wait3A_77] : memref<832x16384xf32, #tpu.memory_space<hbm>> -> memref<1x4096xf32, #tpu.memory_space<hbm>>
      %dma_wait3A_79 = tpu.memref_squeeze %dma_wait3A_78 : memref<1x4096xf32, #tpu.memory_space<hbm>> -> memref<4096xf32, #tpu.memory_space<hbm>>
      tpu.wait_dma2 semaphore(%arg10 : memref<!tpu.dma_semaphore, #tpu.memory_space<semaphore_mem>>) src(%arg8 : memref<4096xf32, #tpu.memory_space<vmem>>) dst(%dma_wait3A_79 : memref<4096xf32, #tpu.memory_space<hbm>>)
      %parallel_loop3A_80 = arith.constant 0 : i32
      %parallel_loop3A_81 = arith.constant 4096 : i32
      %parallel_loop3A_82 = arith.constant 16 : i32
      scf.for %parallel_loop3A_121 = %parallel_loop3A_80 to %parallel_loop3A_81 step %parallel_loop3A_82  : i32 {
        %parallel_loop3A_122 = arith.constant 4096 : i32
        %parallel_loop3A_123 = arith.addi %parallel_loop3A_122, %parallel_loop3A_121 : i32
        %parallel_loop3A_124 = arith.index_cast %parallel_loop3A_123 : i32 to index
        %parallel_loop3A_125 = tpu.vector_load %arg5[%parallel_loop3A_124] {strides = array<i32>} : memref<16384xi32, #tpu.memory_space<vmem>>, vector<16xi32>,
        %parallel_loop3A_126 = tpu.vector_load_idx %arg6[%parallel_loop3A_125] : memref<100000xf32, #tpu.memory_space<vmem>>[vector<16xi32>], vector<16xf32>,
        %parallel_loop3A_127 = arith.index_cast %parallel_loop3A_121 : i32 to index
        %parallel_loop3A_128 = tpu.vector_load %arg8[%parallel_loop3A_127] {strides = array<i32>} : memref<4096xf32, #tpu.memory_space<vmem>>, vector<16xf32>,
        tpu.vector_store %arg8[%parallel_loop3A_127], %parallel_loop3A_126 {strides = array<i32>} : memref<4096xf32, #tpu.memory_space<vmem>>, vector<16xf32>,
      } {sc.loop_unroll_factor = 16 : i64, sc.parallel_access}
      %dma_start3A_83 = arith.constant 4096 : i32
      %dma_start3A_84 = tpu.memref_slice %arg4[%while3A_57, %dma_start3A_83] : memref<832x16384xf32, #tpu.memory_space<hbm>> -> memref<1x4096xf32, #tpu.memory_space<hbm>>
      %dma_start3A_85 = tpu.memref_squeeze %dma_start3A_84 : memref<1x4096xf32, #tpu.memory_space<hbm>> -> memref<4096xf32, #tpu.memory_space<hbm>>
      %dma_start3A_86 = arith.constant 4096 : i32
      %dma_start3A_87 = tpu.memref_slice %arg4[%while3A_57, %dma_start3A_86] : memref<832x16384xf32, #tpu.memory_space<hbm>> -> memref<1x4096xf32, #tpu.memory_space<hbm>>
      %dma_start3A_88 = tpu.memref_squeeze %dma_start3A_87 : memref<1x4096xf32, #tpu.memory_space<hbm>> -> memref<4096xf32, #tpu.memory_space<hbm>>
      tpu.enqueue_dma source(%arg8 : memref<4096xf32, #tpu.memory_space<vmem>>) target(%dma_start3A_88 : memref<4096xf32, #tpu.memory_space<hbm>>) target_semaphore(%arg10 : memref<!tpu.dma_semaphore, #tpu.memory_space<semaphore_mem>>)
      %dma_wait3A_89 = arith.constant 0 : i32
      %dma_wait3A_90 = arith.constant 0 : i32
      %dma_wait3A_91 = tpu.memref_slice %arg4[%dma_wait3A_89, %dma_wait3A_90] : memref<832x16384xf32, #tpu.memory_space<hbm>> -> memref<1x4096xf32, #tpu.memory_space<hbm>>
      %dma_wait3A_92 = tpu.memref_squeeze %dma_wait3A_91 : memref<1x4096xf32, #tpu.memory_space<hbm>> -> memref<4096xf32, #tpu.memory_space<hbm>>
      %dma_wait3A_93 = arith.constant 0 : i32
      %dma_wait3A_94 = tpu.memref_slice %arg4[%dma_wait3A_89, %dma_wait3A_93] : memref<832x16384xf32, #tpu.memory_space<hbm>> -> memref<1x4096xf32, #tpu.memory_space<hbm>>
      %dma_wait3A_95 = tpu.memref_squeeze %dma_wait3A_94 : memref<1x4096xf32, #tpu.memory_space<hbm>> -> memref<4096xf32, #tpu.memory_space<hbm>>
      tpu.wait_dma2 semaphore(%arg9 : memref<!tpu.dma_semaphore, #tpu.memory_space<semaphore_mem>>) src(%arg7 : memref<4096xf32, #tpu.memory_space<vmem>>) dst(%dma_wait3A_95 : memref<4096xf32, #tpu.memory_space<hbm>>)
      %parallel_loop3A_96 = arith.constant 0 : i32
      %parallel_loop3A_97 = arith.constant 4096 : i32
      %parallel_loop3A_98 = arith.constant 16 : i32
      scf.for %parallel_loop3A_121 = %parallel_loop3A_96 to %parallel_loop3A_97 step %parallel_loop3A_98  : i32 {
        %parallel_loop3A_122 = arith.constant 8192 : i32
        %parallel_loop3A_123 = arith.addi %parallel_loop3A_122, %parallel_loop3A_121 : i32
        %parallel_loop3A_124 = arith.index_cast %parallel_loop3A_123 : i32 to index
        %parallel_loop3A_125 = tpu.vector_load %arg5[%parallel_loop3A_124] {strides = array<i32>} : memref<16384xi32, #tpu.memory_space<vmem>>, vector<16xi32>,
        %parallel_loop3A_126 = tpu.vector_load_idx %arg6[%parallel_loop3A_125] : memref<100000xf32, #tpu.memory_space<vmem>>[vector<16xi32>], vector<16xf32>,
        %parallel_loop3A_127 = arith.index_cast %parallel_loop3A_121 : i32 to index
        %parallel_loop3A_128 = tpu.vector_load %arg7[%parallel_loop3A_127] {strides = array<i32>} : memref<4096xf32, #tpu.memory_space<vmem>>, vector<16xf32>,
        tpu.vector_store %arg7[%parallel_loop3A_127], %parallel_loop3A_126 {strides = array<i32>} : memref<4096xf32, #tpu.memory_space<vmem>>, vector<16xf32>,
      } {sc.loop_unroll_factor = 16 : i64, sc.parallel_access}
      %dma_start3A_99 = arith.constant 8192 : i32
      %dma_start3A_100 = tpu.memref_slice %arg4[%while3A_57, %dma_start3A_99] : memref<832x16384xf32, #tpu.memory_space<hbm>> -> memref<1x4096xf32, #tpu.memory_space<hbm>>
      %dma_start3A_101 = tpu.memref_squeeze %dma_start3A_100 : memref<1x4096xf32, #tpu.memory_space<hbm>> -> memref<4096xf32, #tpu.memory_space<hbm>>
      %dma_start3A_102 = arith.constant 8192 : i32
      %dma_start3A_103 = tpu.memref_slice %arg4[%while3A_57, %dma_start3A_102] : memref<832x16384xf32, #tpu.memory_space<hbm>> -> memref<1x4096xf32, #tpu.memory_space<hbm>>
      %dma_start3A_104 = tpu.memref_squeeze %dma_start3A_103 : memref<1x4096xf32, #tpu.memory_space<hbm>> -> memref<4096xf32, #tpu.memory_space<hbm>>
      tpu.enqueue_dma source(%arg7 : memref<4096xf32, #tpu.memory_space<vmem>>) target(%dma_start3A_104 : memref<4096xf32, #tpu.memory_space<hbm>>) target_semaphore(%arg9 : memref<!tpu.dma_semaphore, #tpu.memory_space<semaphore_mem>>)
      %dma_wait3A_105 = arith.constant 0 : i32
      %dma_wait3A_106 = arith.constant 0 : i32
      %dma_wait3A_107 = tpu.memref_slice %arg4[%dma_wait3A_105, %dma_wait3A_106] : memref<832x16384xf32, #tpu.memory_space<hbm>> -> memref<1x4096xf32, #tpu.memory_space<hbm>>
      %dma_wait3A_108 = tpu.memref_squeeze %dma_wait3A_107 : memref<1x4096xf32, #tpu.memory_space<hbm>> -> memref<4096xf32, #tpu.memory_space<hbm>>
      %dma_wait3A_109 = arith.constant 0 : i32
      %dma_wait3A_110 = tpu.memref_slice %arg4[%dma_wait3A_105, %dma_wait3A_109] : memref<832x16384xf32, #tpu.memory_space<hbm>> -> memref<1x4096xf32, #tpu.memory_space<hbm>>
      %dma_wait3A_111 = tpu.memref_squeeze %dma_wait3A_110 : memref<1x4096xf32, #tpu.memory_space<hbm>> -> memref<4096xf32, #tpu.memory_space<hbm>>
      tpu.wait_dma2 semaphore(%arg10 : memref<!tpu.dma_semaphore, #tpu.memory_space<semaphore_mem>>) src(%arg8 : memref<4096xf32, #tpu.memory_space<vmem>>) dst(%dma_wait3A_111 : memref<4096xf32, #tpu.memory_space<hbm>>)
      %parallel_loop3A_112 = arith.constant 0 : i32
      %parallel_loop3A_113 = arith.constant 4096 : i32
      %parallel_loop3A_114 = arith.constant 16 : i32
      scf.for %parallel_loop3A_121 = %parallel_loop3A_112 to %parallel_loop3A_113 step %parallel_loop3A_114  : i32 {
        %parallel_loop3A_122 = arith.constant 12288 : i32
        %parallel_loop3A_123 = arith.addi %parallel_loop3A_122, %parallel_loop3A_121 : i32
        %parallel_loop3A_124 = arith.index_cast %parallel_loop3A_123 : i32 to index
        %parallel_loop3A_125 = tpu.vector_load %arg5[%parallel_loop3A_124] {strides = array<i32>} : memref<16384xi32, #tpu.memory_space<vmem>>, vector<16xi32>,
        %parallel_loop3A_126 = tpu.vector_load_idx %arg6[%parallel_loop3A_125] : memref<100000xf32, #tpu.memory_space<vmem>>[vector<16xi32>], vector<16xf32>,
        %parallel_loop3A_127 = arith.index_cast %parallel_loop3A_121 : i32 to index
        %parallel_loop3A_128 = tpu.vector_load %arg8[%parallel_loop3A_127] {strides = array<i32>} : memref<4096xf32, #tpu.memory_space<vmem>>, vector<16xf32>,
        tpu.vector_store %arg8[%parallel_loop3A_127], %parallel_loop3A_126 {strides = array<i32>} : memref<4096xf32, #tpu.memory_space<vmem>>, vector<16xf32>,
      } {sc.loop_unroll_factor = 16 : i64, sc.parallel_access}
      %dma_start3A_115 = arith.constant 12288 : i32
      %dma_start3A_116 = tpu.memref_slice %arg4[%while3A_57, %dma_start3A_115] : memref<832x16384xf32, #tpu.memory_space<hbm>> -> memref<1x4096xf32, #tpu.memory_space<hbm>>
      %dma_start3A_117 = tpu.memref_squeeze %dma_start3A_116 : memref<1x4096xf32, #tpu.memory_space<hbm>> -> memref<4096xf32, #tpu.memory_space<hbm>>
      %dma_start3A_118 = arith.constant 12288 : i32
      %dma_start3A_119 = tpu.memref_slice %arg4[%while3A_57, %dma_start3A_118] : memref<832x16384xf32, #tpu.memory_space<hbm>> -> memref<1x4096xf32, #tpu.memory_space<hbm>>
      %dma_start3A_120 = tpu.memref_squeeze %dma_start3A_119 : memref<1x4096xf32, #tpu.memory_space<hbm>> -> memref<4096xf32, #tpu.memory_space<hbm>>
      tpu.enqueue_dma source(%arg8 : memref<4096xf32, #tpu.memory_space<vmem>>) target(%dma_start3A_120 : memref<4096xf32, #tpu.memory_space<hbm>>) target_semaphore(%arg10 : memref<!tpu.dma_semaphore, #tpu.memory_space<semaphore_mem>>)
    }
    %dma_wait3A = arith.constant 0 : i32
    %dma_wait3A_44 = arith.constant 0 : i32
    %dma_wait3A_45 = tpu.memref_slice %arg4[%dma_wait3A, %dma_wait3A_44] : memref<832x16384xf32, #tpu.memory_space<hbm>> -> memref<1x4096xf32, #tpu.memory_space<hbm>>
    %dma_wait3A_46 = tpu.memref_squeeze %dma_wait3A_45 : memref<1x4096xf32, #tpu.memory_space<hbm>> -> memref<4096xf32, #tpu.memory_space<hbm>>
    %dma_wait3A_47 = arith.constant 0 : i32
    %dma_wait3A_48 = tpu.memref_slice %arg4[%dma_wait3A, %dma_wait3A_47] : memref<832x16384xf32, #tpu.memory_space<hbm>> -> memref<1x4096xf32, #tpu.memory_space<hbm>>
    %dma_wait3A_49 = tpu.memref_squeeze %dma_wait3A_48 : memref<1x4096xf32, #tpu.memory_space<hbm>> -> memref<4096xf32, #tpu.memory_space<hbm>>
    tpu.wait_dma2 semaphore(%arg9 : memref<!tpu.dma_semaphore, #tpu.memory_space<semaphore_mem>>) src(%arg7 : memref<4096xf32, #tpu.memory_space<vmem>>) dst(%dma_wait3A_49 : memref<4096xf32, #tpu.memory_space<hbm>>)
    %dma_wait3A_50 = arith.constant 0 : i32
    %dma_wait3A_51 = arith.constant 0 : i32
    %dma_wait3A_52 = tpu.memref_slice %arg4[%dma_wait3A_50, %dma_wait3A_51] : memref<832x16384xf32, #tpu.memory_space<hbm>> -> memref<1x4096xf32, #tpu.memory_space<hbm>>
    %dma_wait3A_53 = tpu.memref_squeeze %dma_wait3A_52 : memref<1x4096xf32, #tpu.memory_space<hbm>> -> memref<4096xf32, #tpu.memory_space<hbm>>
    %dma_wait3A_54 = arith.constant 0 : i32
    %dma_wait3A_55 = tpu.memref_slice %arg4[%dma_wait3A_50, %dma_wait3A_54] : memref<832x16384xf32, #tpu.memory_space<hbm>> -> memref<1x4096xf32, #tpu.memory_space<hbm>>
    %dma_wait3A_56 = tpu.memref_squeeze %dma_wait3A_55 : memref<1x4096xf32, #tpu.memory_space<hbm>> -> memref<4096xf32, #tpu.memory_space<hbm>>
    tpu.wait_dma2 semaphore(%arg10 : memref<!tpu.dma_semaphore, #tpu.memory_space<semaphore_mem>>) src(%arg8 : memref<4096xf32, #tpu.memory_space<vmem>>) dst(%dma_wait3A_56 : memref<4096xf32, #tpu.memory_space<hbm>>)
    return
  }
}

module attributes {stable_mosaic.version = 14 : i64} {
  func.func @_mlp_body(%arg0: i32, %arg1: memref<832x2048xf32, #tpu.memory_space<vmem>>, %arg2: memref<13x2048xf32, #tpu.memory_space<vmem>>, %arg3: memref<512x832xf32, #tpu.memory_space<vmem>>, %arg4: memref<512x13xf32, #tpu.memory_space<vmem>>, %arg5: memref<512x1xf32, #tpu.memory_space<vmem>>, %arg6: memref<256x512xf32, #tpu.memory_space<vmem>>, %arg7: memref<256x1xf32, #tpu.memory_space<vmem>>, %arg8: memref<1x256xf32, #tpu.memory_space<vmem>>, %arg9: memref<1x1xf32, #tpu.memory_space<vmem>>, %arg10: memref<1x2048xf32, #tpu.memory_space<vmem>>) attributes {dimension_semantics = [#tpu.dimension_semantics<arbitrary>], iteration_bounds = array<i64: 8>, scalar_prefetch = 0 : i64, scratch_operands = 0 : i64, tpu.core_type = #tpu.core_type<tc>, window_params = [{transform_indices = @transform_0, window_bounds = array<i64: 832, 2048>}, {transform_indices = @transform_1, window_bounds = array<i64: 13, 2048>}, {pipeline_mode = #tpu.pipeline_mode<synchronous>, transform_indices = @transform_2, window_bounds = array<i64: 512, 832>}, {pipeline_mode = #tpu.pipeline_mode<synchronous>, transform_indices = @transform_3, window_bounds = array<i64: 512, 13>}, {pipeline_mode = #tpu.pipeline_mode<synchronous>, transform_indices = @transform_4, window_bounds = array<i64: 512, 1>}, {pipeline_mode = #tpu.pipeline_mode<synchronous>, transform_indices = @transform_5, window_bounds = array<i64: 256, 512>}, {pipeline_mode = #tpu.pipeline_mode<synchronous>, transform_indices = @transform_6, window_bounds = array<i64: 256, 1>}, {pipeline_mode = #tpu.pipeline_mode<synchronous>, transform_indices = @transform_7, window_bounds = array<i64: 1, 256>}, {pipeline_mode = #tpu.pipeline_mode<synchronous>, transform_indices = @transform_8, window_bounds = array<i64: 1, 1>}, {transform_indices = @transform_9, window_bounds = array<i64: 1, 2048>}]} {
    %get3A = arith.constant 0 : index
    %get3A_0 = arith.constant 0 : index
    %get3A_1 = vector.load %arg2[%get3A, %get3A_0] : memref<13x2048xf32, #tpu.memory_space<vmem>>, vector<13x2048xf32>
    %ne3A = arith.cmpf one, %get3A_1, %get3A_1 : vector<13x2048xf32>
    %jit3A = arith.constant 0.000000e+00 : f32
    %broadcast_in_dim3A = vector.broadcast %jit3A : f32 to vector<13x2048xf32>
    %select_n3A = arith.select %ne3A, %broadcast_in_dim3A, %get3A_1 : vector<13x2048xi1>, vector<13x2048xf32>
    %get3A_2 = arith.constant 0 : index
    %get3A_3 = arith.constant 0 : index
    %get3A_4 = vector.load %arg3[%get3A_2, %get3A_3] : memref<512x832xf32, #tpu.memory_space<vmem>>, vector<512x832xf32>
    %get3A_5 = arith.constant 0 : index
    %get3A_6 = arith.constant 0 : index
    %get3A_7 = vector.load %arg1[%get3A_5, %get3A_6] : memref<832x2048xf32, #tpu.memory_space<vmem>>, vector<832x2048xf32>
    %dot_general3A = arith.constant dense<0.000000e+00> : vector<512x2048xf32>
    %dot_general3A_8 = tpu.matmul %get3A_4, %get3A_7, %dot_general3A {dimension_numbers = #tpu.dot_dimension_numbers<[1], [0], [0], [1], [0, 0, 1, 1], [], []>, transpose_lhs_hint = false} : vector<512x832xf32>, vector<832x2048xf32>, vector<512x2048xf32> -> vector<512x2048xf32>
    %get3A_9 = arith.constant 0 : index
    %get3A_10 = arith.constant 0 : index
    %get3A_11 = vector.load %arg4[%get3A_9, %get3A_10] : memref<512x13xf32, #tpu.memory_space<vmem>>, vector<512x13xf32>
    %dot_general3A_12 = arith.constant dense<0.000000e+00> : vector<512x2048xf32>
    %dot_general3A_13 = tpu.matmul %get3A_11, %select_n3A, %dot_general3A_12 {dimension_numbers = #tpu.dot_dimension_numbers<[1], [0], [0], [1], [0, 0, 1, 1], [], []>, transpose_lhs_hint = false} : vector<512x13xf32>, vector<13x2048xf32>, vector<512x2048xf32> -> vector<512x2048xf32>
    %add3A = arith.addf %dot_general3A_8, %dot_general3A_13 : vector<512x2048xf32>
    %get3A_14 = arith.constant 0 : index
    %get3A_15 = arith.constant 0 : index
    %get3A_16 = vector.load %arg5[%get3A_14, %get3A_15] : memref<512x1xf32, #tpu.memory_space<vmem>>, vector<512x1xf32>
    %add3A_17 = vector.broadcast %get3A_16 : vector<512x1xf32> to vector<512x2048xf32>
    %add3A_18 = arith.addf %add3A, %add3A_17 : vector<512x2048xf32>
    %max3A = arith.constant 0.000000e+00 : f32
    %max3A_19 = vector.broadcast %max3A : f32 to vector<512x2048xf32>
    %max3A_20 = arith.maximumf %add3A_18, %max3A_19 : vector<512x2048xf32>
    %get3A_21 = arith.constant 0 : index
    %get3A_22 = arith.constant 0 : index
    %get3A_23 = vector.load %arg6[%get3A_21, %get3A_22] : memref<256x512xf32, #tpu.memory_space<vmem>>, vector<256x512xf32>
    %dot_general3A_24 = arith.constant dense<0.000000e+00> : vector<256x2048xf32>
    %dot_general3A_25 = tpu.matmul %get3A_23, %max3A_20, %dot_general3A_24 {dimension_numbers = #tpu.dot_dimension_numbers<[1], [0], [0], [1], [0, 0, 1, 1], [], []>, transpose_lhs_hint = false} : vector<256x512xf32>, vector<512x2048xf32>, vector<256x2048xf32> -> vector<256x2048xf32>
    %get3A_26 = arith.constant 0 : index
    %get3A_27 = arith.constant 0 : index
    %get3A_28 = vector.load %arg7[%get3A_26, %get3A_27] : memref<256x1xf32, #tpu.memory_space<vmem>>, vector<256x1xf32>
    %add3A_29 = vector.broadcast %get3A_28 : vector<256x1xf32> to vector<256x2048xf32>
    %add3A_30 = arith.addf %dot_general3A_25, %add3A_29 : vector<256x2048xf32>
    %max3A_31 = arith.constant 0.000000e+00 : f32
    %max3A_32 = vector.broadcast %max3A_31 : f32 to vector<256x2048xf32>
    %max3A_33 = arith.maximumf %add3A_30, %max3A_32 : vector<256x2048xf32>
    %get3A_34 = arith.constant 0 : index
    %get3A_35 = arith.constant 0 : index
    %get3A_36 = vector.load %arg8[%get3A_34, %get3A_35] : memref<1x256xf32, #tpu.memory_space<vmem>>, vector<1x256xf32>
    %dot_general3A_37 = arith.constant dense<0.000000e+00> : vector<1x2048xf32>
    %dot_general3A_38 = tpu.matmul %get3A_36, %max3A_33, %dot_general3A_37 {dimension_numbers = #tpu.dot_dimension_numbers<[1], [0], [0], [1], [0, 0, 1, 1], [], []>, transpose_lhs_hint = false} : vector<1x256xf32>, vector<256x2048xf32>, vector<1x2048xf32> -> vector<1x2048xf32>
    %get3A_39 = arith.constant 0 : index
    %get3A_40 = arith.constant 0 : index
    %get3A_41 = vector.load %arg9[%get3A_39, %get3A_40] : memref<1x1xf32, #tpu.memory_space<vmem>>, vector<1x1xf32>
    %add3A_42 = vector.broadcast %get3A_41 : vector<1x1xf32> to vector<1x2048xf32>
    %add3A_43 = arith.addf %dot_general3A_38, %add3A_42 : vector<1x2048xf32>
    %swap3A = arith.constant 0 : index
    %swap3A_44 = arith.constant 0 : index
    %swap3A_45 = vector.load %arg10[%swap3A, %swap3A_44] : memref<1x2048xf32, #tpu.memory_space<vmem>>, vector<1x2048xf32>
    tpu.vector_store %arg10[%swap3A, %swap3A_44], %add3A_43 {strides = array<i32>} : memref<1x2048xf32, #tpu.memory_space<vmem>>, vector<1x2048xf32>,
    return
  }
  func.func @transform_0(%arg0: i32) -> (i32, i32) {
    %c0_i32 = arith.constant 0 : i32
    %c0_i32_0 = arith.constant 0 : i32
    return %c0_i32, %arg0 : i32, i32
  }
  func.func @transform_1(%arg0: i32) -> (i32, i32) {
    %c0_i32 = arith.constant 0 : i32
    %c0_i32_0 = arith.constant 0 : i32
    return %c0_i32, %arg0 : i32, i32
  }
  func.func @transform_2(%arg0: i32) -> (i32, i32) {
    %c0_i32 = arith.constant 0 : i32
    %c0_i32_0 = arith.constant 0 : i32
    %c0_i32_1 = arith.constant 0 : i32
    return %c0_i32, %c0_i32_0 : i32, i32
  }
  func.func @transform_3(%arg0: i32) -> (i32, i32) {
    %c0_i32 = arith.constant 0 : i32
    %c0_i32_0 = arith.constant 0 : i32
    %c0_i32_1 = arith.constant 0 : i32
    return %c0_i32, %c0_i32_0 : i32, i32
  }
  func.func @transform_4(%arg0: i32) -> (i32, i32) {
    %c0_i32 = arith.constant 0 : i32
    %c0_i32_0 = arith.constant 0 : i32
    %c0_i32_1 = arith.constant 0 : i32
    return %c0_i32, %c0_i32_0 : i32, i32
  }
  func.func @transform_5(%arg0: i32) -> (i32, i32) {
    %c0_i32 = arith.constant 0 : i32
    %c0_i32_0 = arith.constant 0 : i32
    %c0_i32_1 = arith.constant 0 : i32
    return %c0_i32, %c0_i32_0 : i32, i32
  }
  func.func @transform_6(%arg0: i32) -> (i32, i32) {
    %c0_i32 = arith.constant 0 : i32
    %c0_i32_0 = arith.constant 0 : i32
    %c0_i32_1 = arith.constant 0 : i32
    return %c0_i32, %c0_i32_0 : i32, i32
  }
  func.func @transform_7(%arg0: i32) -> (i32, i32) {
    %c0_i32 = arith.constant 0 : i32
    %c0_i32_0 = arith.constant 0 : i32
    %c0_i32_1 = arith.constant 0 : i32
    return %c0_i32, %c0_i32_0 : i32, i32
  }
  func.func @transform_8(%arg0: i32) -> (i32, i32) {
    %c0_i32 = arith.constant 0 : i32
    %c0_i32_0 = arith.constant 0 : i32
    %c0_i32_1 = arith.constant 0 : i32
    return %c0_i32, %c0_i32_0 : i32, i32
  }
  func.func @transform_9(%arg0: i32) -> (i32, i32) {
    %c0_i32 = arith.constant 0 : i32
    %c0_i32_0 = arith.constant 0 : i32
    return %c0_i32, %arg0 : i32, i32
  }
}

</mosaic_0001>

<sc_bundles>
// kernel: kernel.4.cloned.1.call-start
scs
__scs_entry_jumppad:
0x0: {  	(pc) =	sbr.rel $0x88, $3  }
0x1: {  	(tag) =	ssettag $0x0;
	lr =	simm.s32 $0x1  }
0x2: {  	[smem:$0x3F97] =	sst lr;
	_ =	strace $0xD0000000  }
0x3: {  	_ = 	snop  }
0x4: {  	_ = 	snop  }
0x5: {  	_ = 	snop  }
0x6: {  	_ = 	snop  }
0x7: {  	_ = 	snop  }
__scs_overlays_trampoline_lowered:
0x8: {  	[smem:$0x3FA6] =	sst s0  }
0x9: {  	[smem:$0x3FA7] =	sst s1  }
0xa: {  	[smem:$0x3FA8] =	sst s2  }
0xb: {  	[smem:$0x3FA9] =	sst s3  }
0xc: {  	[smem:$0x3FAA] =	sst s4  }
0xd: {  	[smem:$0x3FAB] =	sst s5  }
0xe: {  	[smem:$0x3FAC] =	sst s6  }
0xf: {  	[smem:$0x3FAD] =	sst s7  }
0x10: {  	[smem:$0x3FAE] =	sst s8  }
0x11: {  	[smem:$0x3FAF] =	sst s9;
	s0 =	simm.s32 @!p0 $0x0  }
0x12: {  	s1 =	sld [smem:$0x3F95];
	s0 =	simm.s32 @p0 $0x1  }
0x13: {  	[smem:$0x3FB0] =	sst s0;
	s0 =	simm.s32 @!p1 $0x0  }
0x14: {  	s2 =	sld [smem:$0x3F94];
	s0 =	simm.s32 @p1 $0x1  }
0x15: {  	[smem:$0x3FB1] =	sst s0;
	s0 =	simm.s32 @!p2 $0x0  }
0x16: {  	s3 =	sld [smem:$0x3FDB];
	s0 =	simm.s32 @p2 $0x1  }
0x17: {  	s4 =	simm.s32 $0x1BF5;
	[smem:$0x3FB3] =	sst s0  }
0x18: {  	s0 =	sld [smem:$0x3F96];
	_ =	swait.ge [sflag:s4], $0x0  }
0x19: {  	s7 =	sld [smem:$0x3F97]  }
0x1a: {  	s8 =	sadd.s32 $0xFFFFE003, lr  }
0x1b: {  	s9 =	sadd.s32 $0xFFFFFEF7, lr;
	s5 =	simm.s32 $0xFFFFFFFF;
	p2 =	slt.u32 s8, $0xFFFFF086  }
0x1c: {  	p1 =	slt.u32 s9, $0xF7A;
	s5 =	simm.s32 @!p2 $0x0  }
0x1d: {  	s5 =	simm.s32 @p1 $0x1;
	p0 =	seq.s32 s7, s2  }
0x1e: {  	s7 =	smul.u32 @!p0 $0xF7A, s2;
	p2 =	seq.s32 @!p0 s5, $0x0  }
0x1f: {  	s9 =	smul.u32 $0xF7A, s1;
	s8 =	simm.s32 @!p0 $0x1BF5;
	p2 =	por !p2, p0  }
0x20: {  	[sflag:s8] =	ssyncset.s32 @!p0 $0xFFFFF086;
	s6 =	sadd.s32 @!p0 s3, s7;
	s7 =	simm.s32 @!p0 $0x108  }
0x21: {  	s3 =	sadd.s32 s3, s9;
	s6 =	sadd.s32 @!p0 $0x88, s6;
	s7 =	simm.s32 @p2 $0x1082  }
0x22: {  	[simem:s7], [sflag:s8] =	dma.local @!p0 [hbm:s6], $0xF7A  }
0x23: {  	s9 =	sor.u32 $0xD0000000, s2;
	s6 =	simm.s32 $0x108;
	_ =	swait.ge @!p0 [sflag:s8], $0x0  }
0x24: {  	s3 =	sadd.s32 $0x88, s3;
	s6 =	simm.s32 @!p1 $0x1082;
	[sflag:s4] =	ssyncset.s32 $0xFFFFF086  }
0x25: {  	[simem:s6], [sflag:s4] =	dma.local [hbm:s3], $0xF7A  }
0x26: {  	[smem:$0x3F97] =	sst s1;
	(tag) =	ssettag s2;
	_ =	strace s9  }
0x27: {  	s1 =	sld [smem:$0x3FA7]  }
0x28: {  	s2 =	sld [smem:$0x3FA8]  }
0x29: {  	s4 =	sld [smem:$0x3FAA]  }
0x2a: {  	p0 =	seq.s32 s5, $0x0;
	s5 =	sld [smem:$0x3FAB]  }
0x2b: {  	s6 =	sld [smem:$0x3FAC]  }
0x2c: {  	s7 =	sld [smem:$0x3FAD]  }
0x2d: {  	s3 =	simm.s32 $0x108;
	s8 =	sld [smem:$0x3FAE]  }
0x2e: {  	s3 =	simm.s32 @!p0 $0x1082;
	s9 =	sld [smem:$0x3FAF]  }
0x2f: {  	lr =	sadd.s32 s0, s3;
	s0 =	sld [smem:$0x3FA6]  }
0x30: {  	s3 =	sld [smem:$0x3FA9]  }
0x31: {  	[smem:$0x3FB2] =	sst s10  }
0x32: {  	s10 =	sld [smem:$0x3FB0];
	_ =	sdelay $0x3  }
0x33: {  	p0 =	seq.s32 s10, $0x1;
	s10 =	sld [smem:$0x3FB2];
	_ =	sdelay $0x3  }
0x34: {  	[smem:$0x3FB2] =	sst s10  }
0x35: {  	s10 =	sld [smem:$0x3FB1];
	_ =	sdelay $0x3  }
0x36: {  	p1 =	seq.s32 s10, $0x1;
	s10 =	sld [smem:$0x3FB2];
	_ =	sdelay $0x3  }
0x37: {  	[smem:$0x3FB2] =	sst s10  }
0x38: {  	s10 =	sld [smem:$0x3FB3]  }
0x39: {  	_ = 	snop;
	(pc) =	sbr.ind lr, $3  }
0x3a: {  	_ = 	snop  }
0x3b: {  	_ = 	snop  }
0x3c: {  	p2 =	seq.s32 s10, $0x1;
	s10 =	sld [smem:$0x3FB2]  }
0x3d: {  	_ =	shalt  }
0x3e: {  	_ =	shalt  }
0x3f: {  	_ =	shalt  }
0x40: {  	_ =	shalt  }
0x41: {  	_ =	shalt  }
0x42: {  	_ =	shalt  }
0x43: {  	_ =	shalt  }
0x44: {  	_ =	shalt  }
0x45: {  	_ =	shalt  }
0x46: {  	_ =	shalt  }
0x47: {  	_ =	shalt  }
0x48: {  	_ =	shalt  }
0x49: {  	_ =	shalt  }
0x4a: {  	_ =	shalt  }
0x4b: {  	_ =	shalt  }
0x4c: {  	_ =	shalt  }
0x4d: {  	_ =	shalt  }
0x4e: {  	_ =	shalt  }
0x4f: {  	_ =	shalt  }
0x50: {  	_ =	shalt  }
0x51: {  	_ =	shalt  }
0x52: {  	_ =	shalt  }
0x53: {  	_ =	shalt  }
0x54: {  	_ =	shalt  }
0x55: {  	_ =	shalt  }
0x56: {  	_ =	shalt  }
0x57: {  	_ =	shalt  }
0x58: {  	_ =	shalt  }
0x59: {  	_ =	shalt  }
0x5a: {  	_ =	shalt  }
0x5b: {  	_ =	shalt  }
0x5c: {  	_ =	shalt  }
0x5d: {  	_ =	shalt  }
0x5e: {  	_ =	shalt  }
0x5f: {  	_ =	shalt  }
0x60: {  	_ =	shalt  }
0x61: {  	_ =	shalt  }
0x62: {  	_ =	shalt  }
0x63: {  	_ =	shalt  }
0x64: {  	_ =	shalt  }
0x65: {  	_ =	shalt  }
0x66: {  	_ =	shalt  }
0x67: {  	_ =	shalt  }
0x68: {  	_ =	shalt  }
0x69: {  	_ =	shalt  }
0x6a: {  	_ =	shalt  }
0x6b: {  	_ =	shalt  }
0x6c: {  	_ =	shalt  }
0x6d: {  	_ =	shalt  }
0x6e: {  	_ =	shalt  }
0x6f: {  	_ =	shalt  }
0x70: {  	_ =	shalt  }
0x71: {  	_ =	shalt  }
0x72: {  	_ =	shalt  }
0x73: {  	_ =	shalt  }
0x74: {  	_ =	shalt  }
0x75: {  	_ =	shalt  }
0x76: {  	_ =	shalt  }
0x77: {  	_ =	shalt  }
0x78: {  	_ =	shalt  }
0x79: {  	_ =	shalt  }
0x7a: {  	_ =	shalt  }
0x7b: {  	_ =	shalt  }
0x7c: {  	_ =	shalt  }
0x7d: {  	_ =	shalt  }
0x7e: {  	_ =	shalt  }
0x7f: {  	_ =	shalt  }
0x80: {  	_ =	shalt  }
0x81: {  	_ =	shalt  }
0x82: {  	_ =	shalt  }
0x83: {  	_ =	shalt  }
0x84: {  	_ =	shalt  }
0x85: {  	_ =	shalt  }
0x86: {  	_ =	shalt  }
0x87: {  	_ =	shalt  }
.Lfunc_end0:
.L_simem_size_0:
called_computation_lowered:
.L_overlay_start_0:
0x88: {  	s2 =	sld [smem:$0x3FD9]  }
0x89: {  	s3 =	sld [smem:$0x3FFE];
	_ =	sdelay $0x1  }
0x8a: {  	s1 =	srdreg.scid  }
0x8b: {  	s0 =	sand.u32 $0x1, s1  }
0x8c: {  	s17 =	sshll.u32 s0, $0xA;
	s2 =	sadd.s32 s3, s2  }
0x8d: {  	s2 =	sadd.s32 s2, s17  }
0x8e: {  	[smem:$0x3FBE] =	sst s2  }
0x8f: {  	_ = 	snop  }
0x90: {  	s2 =	sld [smem:$0x3FC9]  }
0x91: {  	s18 =	sld [smem:$0x3FC7];
	(tm) =	ssettm $0x1  }
0x92: {  	s4 =	sld [smem:$0x3FFB];
	_ =	sdelay $0x3  }
0x93: {  	_ =	strace s4  }
0x94: {  	s4 =	sld [smem:$0x3FFC];
	_ =	sdelay $0x3  }
0x95: {  	_ =	strace s4  }
0x96: {  	s4 =	sld [smem:$0x3FFD];
	_ =	sdelay $0x3  }
0x97: {  	_ =	strace s4  }
0x98: {  	_ =	strace $0x8FFFFFFF  }
0x99: {  	s19 =	sld [smem:$0x3FDB];
	_ =	sdelay $0x1  }
0x9a: {  	s5 =	simm.s32 $_scs_section_size  }
0x9b: {  	s6 =	simm.s32 $_size__tile_overlayer_lowered;
	s7 =	simm.s32 $_tile_overlayer_lowered  }
0x9c: {  	s22 =	simm.s32 $0x1BFF;
	s21 =	sshll.u32 s7, $0x1;
	s4 =	sadd.s32 s5, s19  }
0x9d: {  	s8 =	simm.s32 $0x0;
	s20 =	sshll.u32 s6, $0x1;
	s6 =	sadd.s32 s21, s4  }
0x9e: {  	[timem:s8], [sflag:s22] =	dma.local [hbm:s6], s20  }
0x9f: {  	_ =	swait.ge [sflag:s22], s20  }
0xa0: {  	s5 =	ssub.s32 $0x0, s20;
	[sflag:s22] =	ssyncset.done $0x0  }
0xa1: {  	[sflag:s22] =	ssyncadd.s32 s5;
	_ =	sdelay $0x1  }
0xa2: {  	s23 =	simm.s32 $0x1B8B  }
0xa3: {  	_ =	swait.ge [sflag:s23], $0x1  }
0xa4: {  	[sflag:s23] =	ssyncset.done $0x0  }
0xa5: {  	s25 =	simm.s32 $0x1B8E;
	s24 =	sld [smem:$0x3FFE];
	[sflag:s23] =	ssyncadd.s32 $0xFFFFFFFF  }
0xa6: {  	s26 =	simm.s32 $execute0_lowered;
	[smem:$0x3FD2] =	sst s25  }
0xa7: {  	s6 =	sshll.u32 s26, $0x1;
	_ =	strace $0x80000046;
	[dreg:$0x1] =	wrdreg $0xFFFFFFFF  }
0xa8: {  	s28 =	simm.s32 $_size_execute0_lowered;
	s4 =	sadd.s32 s4, s6;
	[dreg:$0x0] =	wrdreg $0x0  }
0xa9: {  	s6 =	sshll.u32 s28, $0x1;
	[dreg:$0x2] =	wrdreg s4  }
0xaa: {  	[dreg:$0x3] =	wrdreg s6  }
0xab: {  	[dreg:$0x4] =	wrdreg $0xC0  }
0xac: {  	_ =	task [dreg:s8], $0x5FFFF  }
0xad: {  	[dreg:$0x1] =	wrdreg $0xFFFFFFFF  }
0xae: {  	[dreg:$0x0] =	wrdreg $0x60  }
0xaf: {  	[dreg:$0x2] =	wrdreg s2  }
0xb0: {  	[dreg:$0x3] =	wrdreg s18  }
0xb1: {  	[dreg:$0x4] =	wrdreg s24  }
0xb2: {  	[dreg:$0x5] =	wrdreg $0x9  }
0xb3: {  	_ =	task.clear_ibuf [dreg:s8], $0x6FFFF;
	_ =	strace $0x90000046  }
0xb4: {  	s29 =	simm.s32 $0x9;
	_ =	strace $0x80000048  }
0xb5: {  	_ =	swait.ge [sflag:s29], $0x1  }
0xb6: {  	[sflag:s29] =	ssyncadd.s32 $0xFFFFFFFF  }
0xb7: {  	_ =	strace $0x90000048  }
0xb8: {  	_ =	sfence  }
0xb9: {  	s30 =	sld [smem:$0x0];
	_ =	sdelay $0x2  }
0xba: {  	s31 =	sshll.u32 s1, $0xD;
	s1 =	sshrl.u32 s1, $0x2  }
0xbb: {  	s3 =	sand.u32 $0x4000, s31;
	s1 =	sadd.s32 s1, s30  }
0xbc: {  	s0 =	sor.u32 s3, s0;
	s1 =	sshll.u32 s1, $0x11  }
0xbd: {  	s0 =	sor.u32 s1, s0  }
0xbe: {  	s0 =	sadd.s32 $0x8F2B, s0  }
0xbf: {  	[sflag:s0] =	ssyncadd.remote.s32 $0x1  }
0xc0: {  	_ =	sfence.sel $0xFFFF  }
0xc1: {  	[dreg:$0x0] =	wrdreg $0xFFFFFFFF;
	(pc) =	sbr.abs _section_cstart, $3  }
0xc2: {  	[dreg:$0x1] =	wrdreg $0xFFFFFFFF  }
0xc3: {  	_ =	task.clear_ibuf [dreg:s8], $0x2FFFF;
	_ =	strace $0x9FFFFFFF  }
0xc4: {  	(tm) =	ssettm $0x7FFFFFFF  }
0xc5: {  	_ =	shalt  }
tec
execute0_lowered:
.L_overlay_start_1:
0x0: {  	(tag) =	ssettag $0x1  }
0x1: {  	s12 =	rddreg [dreg:$0x0]  }
0x2: {  	s2 =	rddreg [dreg:$0x1];
	s1 =	srdreg.scid  }
0x3: {  	s0 =	stileid.u32;
	s13 =	rddreg [dreg:$0x2];
	s3 =	simm.s32 $0x0  }
0x4: {  	s18 =	simm.s32 $0x3;
	s19 =	simm.s32 $0x1C700;
	s20 =	simm.s32 $0x1D700  }
0x5: {  	s21 =	simm.s32 $0x4000;
	s5 =	sand.u32 $0x1, s1;
	s4 =	sshll.u32 s0, $0x1  }
0x6: {  	s22 =	simm.s32 $0x1;
	s23 =	simm.s32 $0x2;
	s4 =	sor.u32 s5, s4  }
0x7: {  	[smem:$0x7FF] =	sst s3;
	s6 =	ssub.s32 $0x2, s5;
	s4 =	smul.u32 $0x1A, s4  }
0x8: {  	s1 =	rddreg [dreg:$0x3];
	_ =	strace $0x80000047;
	s7 =	sshrl.u32 s6, $0x1  }
0x9: {  	s5 =	sadd.s32 $0x1600, s13;
	s15 =	ssub.s32 s6, s7;
	s8 =	sand.u32 $0x3E0, s4  }
0xa: {  	s6 =	sadd.s32 $0x1A, s4;
	s29 =	sshll.u32 s4, $0x6;
	s9 =	sshrl.u32 s4, $0x1  }
0xb: {  	s10 =	sadd.s32 $0x19, s4;
	s15 =	smax.u32 s15, $0x1;
	s24 =	sadd.s32 $0x20, s8  }
0xc: {  	s8 =	sand.u32 $0xC000, s29;
	s9 =	sand.u32 $0x70, s9;
	s11 =	sshll.u32 s10, $0xB  }
0xd: {  	s10 =	sshll.u32 s10, $0x4;
	s7 =	smin.u32 s24, s6;
	s9 =	sadd.s32 s12, s9  }
0xe: {  	s30 =	sand.u32 $0x3FC000, s11;
	s10 =	sand.u32 $0x70, s10;
	s11 =	sadd.s32 $0x4600, s13  }
0xf: {  	p0 =	sle.u32 s24, s4;
	p1 =	sge.u32 s24, s6;
	s24 =	simm.s32 $0x0  }
.Ltmp0:
0x10: {  	s8 =	sadd.s32 s8, s9;
	s14 =	sor.u32 s10, s30;
	(pc) =	sbr.rel .LBB2_1-.Ltmp0, $4  }
0x11: {  	s9 =	sadd.s32 $0x3600, s13;
	s31 =	sshrl.u32 s7, $0x1;
	s16 =	sshll.u32 s7, $0x6  }
0x12: {  	s13 =	sadd.s32 $0x2600, s13;
	s10 =	sadd.s32 s14, s9;
	s17 =	sand.u32 $0x70, s31  }
0x13: {  	s16 =	sand.u32 $0x1C000, s16;
	s17 =	sadd.s32 s12, s17;
	s12 =	sadd.s32 s14, s11  }
0x14: {  	s14 =	sadd.s32 s16, s17;
	s16 =	simm.s32 $0x80;
	s17 =	simm.s32 $0x400  }
.LBB2_22:
0x15: {  	s24 =	sadd.s32 $0x1, s24  }
0x16: {  	_ =	swait.ge [sflag:s22], $0x1000;
	p2 =	sne.s32 s24, s15  }
.Ltmp1:
0x17: {  	[sflag:s22] =	ssyncset.done $0x0;
	(pc) =	sbr.rel @!p2 .LBB2_23-.Ltmp1, $4  }
0x18: {  	[sflag:s22] =	ssyncadd.s32 $0xFFFFF000  }
0x19: {  	_ =	swait.ge [sflag:s23], $0x1000  }
0x1a: {  	[sflag:s23] =	ssyncset.done $0x0  }
0x1b: {  	[sflag:s23] =	ssyncadd.s32 $0xFFFFF000  }
.LBB2_1:
0x1c: {  	[tilespmem:s3], [sflag:$0x3] =	stream.strided.gather [hbm4b:s8+s16], $0x4000, s17, s16, $0x38;
	[tilespmem:$0x1E700] =	vst v63  }
0x1d: {  	_ =	swait.ge [sflag:s18], $0x4000  }
.Ltmp2:
0x1e: {  	[sflag:s18] =	ssyncset.done $0x0;
	(pc) =	sbr.rel @p0 .LBB2_11-.Ltmp2, $4  }
0x1f: {  	[sflag:s18] =	ssyncadd.s32 $0xFFFFC000  }
0x20: {  	[hbm4b:s10+s16] =	stream.strided.scatter [tilespmem:s19], [sflag:$0x1], $0x1000, s17, s16, $0x38;
	[tilespmem:$0x1E700] =	vst v63  }
0x21: {  	s25 =	smov.u32 s4  }
0x22: {  	[hbm4b:s12+s16] =	stream.strided.scatter [tilespmem:s20], [sflag:$0x2], $0x1000, s17, s16, $0x38;
	[tilespmem:$0x1E700] =	vst v63  }
.LBB2_2:
0x23: {  	s26 =	sshrl.u32 s25, $0x3  }
0x24: {  	s28 =	sshll.u32 s25, $0x7;
	s29 =	smul.u32 $0xC3800, s26  }
0x25: {  	s28 =	sand.u32 $0x380, s28  }
0x26: {  	s29 =	sor.u32 s28, s29  }
0x27: {  	s29 =	sshrl.u32 s29, $0x3  }
0x28: {  	s30 =	simm.s32 $0x80;
	s29 =	sadd.s32 s2, s29  }
0x29: {  	[tilespmem:s21], [sflag:$0x3] =	stream.strided.gather [hbm4b:s29+s30], $0x18700, s17, s30, $0x38;
	[tilespmem:$0x1E700] =	vst v63  }
0x2a: {  	_ =	swait.ge [sflag:s18], $0x18700  }
0x2b: {  	[sflag:s18] =	ssyncset.done $0x0  }
0x2c: {  	[sflag:s18] =	ssyncadd.s32 $0xFFFE7900  }
0x2d: {  	_ =	swait.ge [sflag:s22], $0x1000  }
0x2e: {  	[sflag:s22] =	ssyncset.done $0x0  }
0x2f: {  	[sflag:s22] =	ssyncadd.s32 $0xFFFFF000  }
0x30: {  	v0 =	vld [tilespmem:s30+$0x70]  }
0x31: {  	v1 =	vld [tilespmem:s30+$0xFFFFFF90]  }
0x32: {  	v2 =	vld [tilespmem:s30+$0xFFFFFFA0]  }
0x33: {  	v3 =	vld [tilespmem:s30+$0xFFFFFFB0]  }
0x34: {  	v4 =	vld [tilespmem:s30+$0xFFFFFFC0]  }
0x35: {  	v5 =	vld [tilespmem:s30+$0xFFFFFFD0]  }
0x36: {  	v6 =	vld [tilespmem:s30+$0xFFFFFFE0]  }
0x37: {  	v7 =	vld [tilespmem:s30+$0xFFFFFFF0]  }
0x38: {  	v8 =	vld [tilespmem:s30+$0x0]  }
0x39: {  	v9 =	vld [tilespmem:s30+$0x10]  }
0x3a: {  	v10 =	vld [tilespmem:s30+$0x20]  }
0x3b: {  	v11 =	vld [tilespmem:s30+$0x30]  }
0x3c: {  	v12 =	vld [tilespmem:s30+$0x40]  }
0x3d: {  	v13 =	vld [tilespmem:s30+$0x50]  }
0x3e: {  	v14 =	vld [tilespmem:s30+$0x60]  }
0x3f: {  	v15 =	vld [tilespmem:s30+$0xFFFFFF80]  }
0x40: {  	v0 =	vld.idx.msk [tilespmem:v0+s21+$0x0], $0xffff  }
0x41: {  	v1 =	vld.idx.msk [tilespmem:v1+s21+$0x0], $0xffff  }
0x42: {  	v2 =	vld.idx.msk [tilespmem:v2+s21+$0x0], $0xffff  }
0x43: {  	v3 =	vld.idx.msk [tilespmem:v3+s21+$0x0], $0xffff  }
0x44: {  	v4 =	vld.idx.msk [tilespmem:v4+s21+$0x0], $0xffff  }
0x45: {  	s29 =	simm.s32 $0x1C780;
	v5 =	vld.idx.msk [tilespmem:v5+s21+$0x0], $0xffff  }
0x46: {  	v6 =	vld.idx.msk [tilespmem:v6+s21+$0x0], $0xffff;
	[tilespmem:s29+$0x70] =	vst v0  }
0x47: {  	v7 =	vld.idx.msk [tilespmem:v7+s21+$0x0], $0xffff;
	[tilespmem:s29+$0xFFFFFF90] =	vst v1  }
0x48: {  	v15 =	vld.idx.msk [tilespmem:v15+s21+$0x0], $0xffff;
	[tilespmem:s29+$0xFFFFFFA0] =	vst v2  }
0x49: {  	v8 =	vld.idx.msk [tilespmem:v8+s21+$0x0], $0xffff;
	[tilespmem:s29+$0xFFFFFFB0] =	vst v3  }
0x4a: {  	[tilespmem:s29+$0xFFFFFFC0] =	vst v4;
	v0 =	vld.idx.msk [tilespmem:v9+s21+$0x0], $0xffff  }
0x4b: {  	[tilespmem:s29+$0xFFFFFFD0] =	vst v5;
	v1 =	vld.idx.msk [tilespmem:v10+s21+$0x0], $0xffff  }
0x4c: {  	[tilespmem:s29+$0xFFFFFFE0] =	vst v6;
	v2 =	vld.idx.msk [tilespmem:v11+s21+$0x0], $0xffff  }
0x4d: {  	[tilespmem:s29+$0xFFFFFFF0] =	vst v7;
	v3 =	vld.idx.msk [tilespmem:v12+s21+$0x0], $0xffff  }
0x4e: {  	[tilespmem:s29+$0xFFFFFF80] =	vst v15;
	v4 =	vld.idx.msk [tilespmem:v13+s21+$0x0], $0xffff  }
0x4f: {  	s31 =	simm.s32 $0x180;
	s30 =	simm.s32 $0x0;
	[tilespmem:s29+$0x0] =	vst v8;
	v5 =	vld.idx.msk [tilespmem:v14+s21+$0x0], $0xffff  }
.LBB2_3:
0x50: {  	v6 =	vld [tilespmem:s31+$0x70];
	s30 =	sadd.s32 $0x100, s30;
	[tilespmem:s29+$0x10] =	vst v0  }
0x51: {  	v0 =	vld [tilespmem:s31+$0xFFFFFF90];
	p2 =	slt.u32 s30, $0xF00;
	[tilespmem:s29+$0x20] =	vst v1  }
0x52: {  	v1 =	vld [tilespmem:s31+$0xFFFFFFA0];
	[tilespmem:s29+$0x30] =	vst v2  }
0x53: {  	v2 =	vld [tilespmem:s31+$0xFFFFFFB0];
	[tilespmem:s29+$0x40] =	vst v3  }
0x54: {  	v3 =	vld [tilespmem:s31+$0xFFFFFFC0];
	[tilespmem:s29+$0x50] =	vst v4  }
0x55: {  	v4 =	vld [tilespmem:s31+$0xFFFFFFD0];
	[tilespmem:s29+$0x60] =	vst v5  }
0x56: {  	v5 =	vld [tilespmem:s31+$0xFFFFFFE0]  }
0x57: {  	v7 =	vld [tilespmem:s31+$0xFFFFFFF0]  }
0x58: {  	v6 =	vld.idx.msk [tilespmem:v6+s21+$0x0], $0xffff  }
0x59: {  	v8 =	vld [tilespmem:s31+$0x0]  }
0x5a: {  	v9 =	vld [tilespmem:s31+$0x10]  }
0x5b: {  	v10 =	vld [tilespmem:s31+$0x20]  }
0x5c: {  	v11 =	vld [tilespmem:s31+$0x30]  }
0x5d: {  	s29 =	sadd.s32 $0x100, s29;
	v12 =	vld [tilespmem:s31+$0x40]  }
0x5e: {  	v13 =	vld [tilespmem:s31+$0x50];
	[tilespmem:s29+$0x70] =	vst v6  }
0x5f: {  	v6 =	vld [tilespmem:s31+$0x60]  }
0x60: {  	v14 =	vld [tilespmem:s31+$0xFFFFFF80]  }
0x61: {  	v0 =	vld.idx.msk [tilespmem:v0+s21+$0x0], $0xffff  }
0x62: {  	v1 =	vld.idx.msk [tilespmem:v1+s21+$0x0], $0xffff  }
0x63: {  	v2 =	vld.idx.msk [tilespmem:v2+s21+$0x0], $0xffff  }
0x64: {  	v3 =	vld.idx.msk [tilespmem:v3+s21+$0x0], $0xffff  }
0x65: {  	v4 =	vld.idx.msk [tilespmem:v4+s21+$0x0], $0xffff  }
0x66: {  	v5 =	vld.idx.msk [tilespmem:v5+s21+$0x0], $0xffff  }
0x67: {  	[tilespmem:s29+$0xFFFFFF90] =	vst v0;
	v7 =	vld.idx.msk [tilespmem:v7+s21+$0x0], $0xffff  }
0x68: {  	v14 =	vld.idx.msk [tilespmem:v14+s21+$0x0], $0xffff;
	[tilespmem:s29+$0xFFFFFFA0] =	vst v1  }
0x69: {  	[tilespmem:s29+$0xFFFFFFB0] =	vst v2;
	v8 =	vld.idx.msk [tilespmem:v8+s21+$0x0], $0xffff  }
0x6a: {  	[tilespmem:s29+$0xFFFFFFC0] =	vst v3;
	v0 =	vld.idx.msk [tilespmem:v9+s21+$0x0], $0xffff  }
.Ltmp3:
0x6b: {  	[tilespmem:s29+$0xFFFFFFD0] =	vst v4;
	v1 =	vld.idx.msk [tilespmem:v10+s21+$0x0], $0xffff;
	(pc) =	sbr.rel @p2 .LBB2_3-.Ltmp3, $4  }
0x6c: {  	[tilespmem:s29+$0xFFFFFFE0] =	vst v5;
	v2 =	vld.idx.msk [tilespmem:v11+s21+$0x0], $0xffff  }
0x6d: {  	[tilespmem:s29+$0xFFFFFFF0] =	vst v7;
	v3 =	vld.idx.msk [tilespmem:v12+s21+$0x0], $0xffff  }
0x6e: {  	[tilespmem:s29+$0xFFFFFF80] =	vst v14;
	v4 =	vld.idx.msk [tilespmem:v13+s21+$0x0], $0xffff  }
0x6f: {  	s31 =	sadd.s32 $0x100, s31;
	[tilespmem:s29+$0x0] =	vst v8;
	v5 =	vld.idx.msk [tilespmem:v6+s21+$0x0], $0xffff  }
0x70: {  	[tilespmem:s29+$0x10] =	vst v0  }
0x71: {  	[tilespmem:s29+$0x20] =	vst v1  }
0x72: {  	s26 =	sshll.u32 s26, $0x11;
	[tilespmem:s29+$0x30] =	vst v2  }
0x73: {  	s26 =	sor.u32 s28, s26;
	[tilespmem:s29+$0x40] =	vst v3  }
0x74: {  	s26 =	sshrl.u32 s26, $0x3;
	[tilespmem:s29+$0x50] =	vst v4  }
0x75: {  	s28 =	sadd.s32 s5, s26;
	[tilespmem:s29+$0x60] =	vst v5  }
0x76: {  	[hbm4b:s28+s16] =	stream.strided.scatter [tilespmem:s19], [sflag:$0x1], $0x1000, s17, s16, $0x38;
	[tilespmem:$0x1E700] =	vst v63  }
0x77: {  	_ =	swait.ge [sflag:s23], $0x1000  }
0x78: {  	[sflag:s23] =	ssyncset.done $0x0  }
0x79: {  	s28 =	simm.s32 $0x10F0;
	[sflag:s23] =	ssyncadd.s32 $0xFFFFF000  }
0x7a: {  	v0 =	vld [tilespmem:s28+$0x0]  }
0x7b: {  	v1 =	vld [tilespmem:s28+$0xFFFFFF20]  }
0x7c: {  	v2 =	vld [tilespmem:s28+$0xFFFFFF30]  }
0x7d: {  	v3 =	vld [tilespmem:s28+$0xFFFFFF40]  }
0x7e: {  	v4 =	vld [tilespmem:s28+$0xFFFFFF50]  }
0x7f: {  	v5 =	vld [tilespmem:s28+$0xFFFFFF60]  }
0x80: {  	v6 =	vld [tilespmem:s28+$0xFFFFFF70]  }
0x81: {  	v7 =	vld [tilespmem:s28+$0xFFFFFF80]  }
0x82: {  	v8 =	vld [tilespmem:s28+$0xFFFFFF90]  }
0x83: {  	v9 =	vld [tilespmem:s28+$0xFFFFFFA0]  }
0x84: {  	v10 =	vld [tilespmem:s28+$0xFFFFFFB0]  }
0x85: {  	v11 =	vld [tilespmem:s28+$0xFFFFFFC0]  }
0x86: {  	v12 =	vld [tilespmem:s28+$0xFFFFFFD0]  }
0x87: {  	v13 =	vld [tilespmem:s28+$0xFFFFFFE0]  }
0x88: {  	v14 =	vld [tilespmem:s28+$0xFFFFFFF0]  }
0x89: {  	v15 =	vld [tilespmem:s28+$0xFFFFFF10]  }
0x8a: {  	v0 =	vld.idx.msk [tilespmem:v0+s21+$0x0], $0xffff  }
0x8b: {  	v1 =	vld.idx.msk [tilespmem:v1+s21+$0x0], $0xffff  }
0x8c: {  	v2 =	vld.idx.msk [tilespmem:v2+s21+$0x0], $0xffff  }
0x8d: {  	v3 =	vld.idx.msk [tilespmem:v3+s21+$0x0], $0xffff  }
0x8e: {  	v4 =	vld.idx.msk [tilespmem:v4+s21+$0x0], $0xffff  }
0x8f: {  	s28 =	simm.s32 $0x1D780;
	v5 =	vld.idx.msk [tilespmem:v5+s21+$0x0], $0xffff  }
0x90: {  	v6 =	vld.idx.msk [tilespmem:v6+s21+$0x0], $0xffff;
	[tilespmem:s28+$0x70] =	vst v0  }
0x91: {  	v7 =	vld.idx.msk [tilespmem:v7+s21+$0x0], $0xffff;
	[tilespmem:s28+$0xFFFFFF90] =	vst v1  }
0x92: {  	v15 =	vld.idx.msk [tilespmem:v15+s21+$0x0], $0xffff;
	[tilespmem:s28+$0xFFFFFFA0] =	vst v2  }
0x93: {  	v8 =	vld.idx.msk [tilespmem:v8+s21+$0x0], $0xffff;
	[tilespmem:s28+$0xFFFFFFB0] =	vst v3  }
0x94: {  	[tilespmem:s28+$0xFFFFFFC0] =	vst v4;
	v0 =	vld.idx.msk [tilespmem:v9+s21+$0x0], $0xffff  }
0x95: {  	[tilespmem:s28+$0xFFFFFFD0] =	vst v5;
	v1 =	vld.idx.msk [tilespmem:v10+s21+$0x0], $0xffff  }
0x96: {  	[tilespmem:s28+$0xFFFFFFE0] =	vst v6;
	v2 =	vld.idx.msk [tilespmem:v11+s21+$0x0], $0xffff  }
0x97: {  	[tilespmem:s28+$0xFFFFFFF0] =	vst v7;
	v3 =	vld.idx.msk [tilespmem:v12+s21+$0x0], $0xffff  }
0x98: {  	[tilespmem:s28+$0xFFFFFF80] =	vst v15;
	v4 =	vld.idx.msk [tilespmem:v13+s21+$0x0], $0xffff  }
0x99: {  	s30 =	simm.s32 $0x11F0;
	s29 =	simm.s32 $0x0;
	[tilespmem:s28+$0x0] =	vst v8;
	v5 =	vld.idx.msk [tilespmem:v14+s21+$0x0], $0xffff  }
.LBB2_5:
0x9a: {  	v6 =	vld [tilespmem:s30+$0x0];
	s29 =	sadd.s32 $0x100, s29;
	[tilespmem:s28+$0x10] =	vst v0  }
0x9b: {  	v0 =	vld [tilespmem:s30+$0xFFFFFF20];
	p2 =	slt.u32 s29, $0xF00;
	[tilespmem:s28+$0x20] =	vst v1  }
0x9c: {  	v1 =	vld [tilespmem:s30+$0xFFFFFF30];
	[tilespmem:s28+$0x30] =	vst v2  }
0x9d: {  	v2 =	vld [tilespmem:s30+$0xFFFFFF40];
	[tilespmem:s28+$0x40] =	vst v3  }
0x9e: {  	v3 =	vld [tilespmem:s30+$0xFFFFFF50];
	[tilespmem:s28+$0x50] =	vst v4  }
0x9f: {  	v4 =	vld [tilespmem:s30+$0xFFFFFF60];
	[tilespmem:s28+$0x60] =	vst v5  }
0xa0: {  	v5 =	vld [tilespmem:s30+$0xFFFFFF70]  }
0xa1: {  	v7 =	vld [tilespmem:s30+$0xFFFFFF80]  }
0xa2: {  	v6 =	vld.idx.msk [tilespmem:v6+s21+$0x0], $0xffff  }
0xa3: {  	v8 =	vld [tilespmem:s30+$0xFFFFFF90]  }
0xa4: {  	v9 =	vld [tilespmem:s30+$0xFFFFFFA0]  }
0xa5: {  	v10 =	vld [tilespmem:s30+$0xFFFFFFB0]  }
0xa6: {  	v11 =	vld [tilespmem:s30+$0xFFFFFFC0]  }
0xa7: {  	s28 =	sadd.s32 $0x100, s28;
	v12 =	vld [tilespmem:s30+$0xFFFFFFD0]  }
0xa8: {  	v13 =	vld [tilespmem:s30+$0xFFFFFFE0];
	[tilespmem:s28+$0x70] =	vst v6  }
0xa9: {  	v6 =	vld [tilespmem:s30+$0xFFFFFFF0]  }
0xaa: {  	v14 =	vld [tilespmem:s30+$0xFFFFFF10]  }
0xab: {  	v0 =	vld.idx.msk [tilespmem:v0+s21+$0x0], $0xffff  }
0xac: {  	v1 =	vld.idx.msk [tilespmem:v1+s21+$0x0], $0xffff  }
0xad: {  	v2 =	vld.idx.msk [tilespmem:v2+s21+$0x0], $0xffff  }
0xae: {  	v3 =	vld.idx.msk [tilespmem:v3+s21+$0x0], $0xffff  }
0xaf: {  	v4 =	vld.idx.msk [tilespmem:v4+s21+$0x0], $0xffff  }
0xb0: {  	v5 =	vld.idx.msk [tilespmem:v5+s21+$0x0], $0xffff  }
0xb1: {  	[tilespmem:s28+$0xFFFFFF90] =	vst v0;
	v7 =	vld.idx.msk [tilespmem:v7+s21+$0x0], $0xffff  }
0xb2: {  	v14 =	vld.idx.msk [tilespmem:v14+s21+$0x0], $0xffff;
	[tilespmem:s28+$0xFFFFFFA0] =	vst v1  }
0xb3: {  	[tilespmem:s28+$0xFFFFFFB0] =	vst v2;
	v8 =	vld.idx.msk [tilespmem:v8+s21+$0x0], $0xffff  }
0xb4: {  	[tilespmem:s28+$0xFFFFFFC0] =	vst v3;
	v0 =	vld.idx.msk [tilespmem:v9+s21+$0x0], $0xffff  }
.Ltmp4:
0xb5: {  	[tilespmem:s28+$0xFFFFFFD0] =	vst v4;
	v1 =	vld.idx.msk [tilespmem:v10+s21+$0x0], $0xffff;
	(pc) =	sbr.rel @p2 .LBB2_5-.Ltmp4, $4  }
0xb6: {  	[tilespmem:s28+$0xFFFFFFE0] =	vst v5;
	v2 =	vld.idx.msk [tilespmem:v11+s21+$0x0], $0xffff  }
0xb7: {  	[tilespmem:s28+$0xFFFFFFF0] =	vst v7;
	v3 =	vld.idx.msk [tilespmem:v12+s21+$0x0], $0xffff  }
0xb8: {  	[tilespmem:s28+$0xFFFFFF80] =	vst v14;
	v4 =	vld.idx.msk [tilespmem:v13+s21+$0x0], $0xffff  }
0xb9: {  	s30 =	sadd.s32 $0x100, s30;
	[tilespmem:s28+$0x0] =	vst v8;
	v5 =	vld.idx.msk [tilespmem:v6+s21+$0x0], $0xffff  }
0xba: {  	[tilespmem:s28+$0x10] =	vst v0  }
0xbb: {  	[tilespmem:s28+$0x20] =	vst v1  }
0xbc: {  	[tilespmem:s28+$0x30] =	vst v2  }
0xbd: {  	[tilespmem:s28+$0x40] =	vst v3  }
0xbe: {  	[tilespmem:s28+$0x50] =	vst v4  }
0xbf: {  	[tilespmem:s28+$0x60] =	vst v5;
	s28 =	sadd.s32 s26, s13  }
0xc0: {  	[hbm4b:s28+s16] =	stream.strided.scatter [tilespmem:s20], [sflag:$0x2], $0x1000, s17, s16, $0x38;
	[tilespmem:$0x1E700] =	vst v63  }
0xc1: {  	_ =	swait.ge [sflag:s22], $0x1000  }
0xc2: {  	[sflag:s22] =	ssyncset.done $0x0  }
0xc3: {  	s28 =	simm.s32 $0x20F0;
	[sflag:s22] =	ssyncadd.s32 $0xFFFFF000  }
0xc4: {  	v0 =	vld [tilespmem:s28+$0x0]  }
0xc5: {  	v1 =	vld [tilespmem:s28+$0xFFFFFF20]  }
0xc6: {  	v2 =	vld [tilespmem:s28+$0xFFFFFF30]  }
0xc7: {  	v3 =	vld [tilespmem:s28+$0xFFFFFF40]  }
0xc8: {  	v4 =	vld [tilespmem:s28+$0xFFFFFF50]  }
0xc9: {  	v5 =	vld [tilespmem:s28+$0xFFFFFF60]  }
0xca: {  	v6 =	vld [tilespmem:s28+$0xFFFFFF70]  }
0xcb: {  	v7 =	vld [tilespmem:s28+$0xFFFFFF80]  }
0xcc: {  	v8 =	vld [tilespmem:s28+$0xFFFFFF90]  }
0xcd: {  	v9 =	vld [tilespmem:s28+$0xFFFFFFA0]  }
0xce: {  	v10 =	vld [tilespmem:s28+$0xFFFFFFB0]  }
0xcf: {  	v11 =	vld [tilespmem:s28+$0xFFFFFFC0]  }
0xd0: {  	v12 =	vld [tilespmem:s28+$0xFFFFFFD0]  }
0xd1: {  	v13 =	vld [tilespmem:s28+$0xFFFFFFE0]  }
0xd2: {  	v14 =	vld [tilespmem:s28+$0xFFFFFFF0]  }
0xd3: {  	v15 =	vld [tilespmem:s28+$0xFFFFFF10]  }
0xd4: {  	v0 =	vld.idx.msk [tilespmem:v0+s21+$0x0], $0xffff  }
0xd5: {  	v1 =	vld.idx.msk [tilespmem:v1+s21+$0x0], $0xffff  }
0xd6: {  	v2 =	vld.idx.msk [tilespmem:v2+s21+$0x0], $0xffff  }
0xd7: {  	v3 =	vld.idx.msk [tilespmem:v3+s21+$0x0], $0xffff  }
0xd8: {  	v4 =	vld.idx.msk [tilespmem:v4+s21+$0x0], $0xffff  }
0xd9: {  	s28 =	simm.s32 $0x1C780;
	v5 =	vld.idx.msk [tilespmem:v5+s21+$0x0], $0xffff  }
0xda: {  	v6 =	vld.idx.msk [tilespmem:v6+s21+$0x0], $0xffff;
	[tilespmem:s28+$0x70] =	vst v0  }
0xdb: {  	v7 =	vld.idx.msk [tilespmem:v7+s21+$0x0], $0xffff;
	[tilespmem:s28+$0xFFFFFF90] =	vst v1  }
0xdc: {  	v15 =	vld.idx.msk [tilespmem:v15+s21+$0x0], $0xffff;
	[tilespmem:s28+$0xFFFFFFA0] =	vst v2  }
0xdd: {  	v8 =	vld.idx.msk [tilespmem:v8+s21+$0x0], $0xffff;
	[tilespmem:s28+$0xFFFFFFB0] =	vst v3  }
0xde: {  	[tilespmem:s28+$0xFFFFFFC0] =	vst v4;
	v0 =	vld.idx.msk [tilespmem:v9+s21+$0x0], $0xffff  }
0xdf: {  	[tilespmem:s28+$0xFFFFFFD0] =	vst v5;
	v1 =	vld.idx.msk [tilespmem:v10+s21+$0x0], $0xffff  }
0xe0: {  	[tilespmem:s28+$0xFFFFFFE0] =	vst v6;
	v2 =	vld.idx.msk [tilespmem:v11+s21+$0x0], $0xffff  }
0xe1: {  	[tilespmem:s28+$0xFFFFFFF0] =	vst v7;
	v3 =	vld.idx.msk [tilespmem:v12+s21+$0x0], $0xffff  }
0xe2: {  	[tilespmem:s28+$0xFFFFFF80] =	vst v15;
	v4 =	vld.idx.msk [tilespmem:v13+s21+$0x0], $0xffff  }
0xe3: {  	s29 =	simm.s32 $0x0;
	s30 =	simm.s32 $0x21F0;
	[tilespmem:s28+$0x0] =	vst v8;
	v5 =	vld.idx.msk [tilespmem:v14+s21+$0x0], $0xffff  }
.LBB2_7:
0xe4: {  	v6 =	vld [tilespmem:s30+$0x0];
	s29 =	sadd.s32 $0x100, s29;
	[tilespmem:s28+$0x10] =	vst v0  }
0xe5: {  	v0 =	vld [tilespmem:s30+$0xFFFFFF20];
	p2 =	slt.u32 s29, $0xF00;
	[tilespmem:s28+$0x20] =	vst v1  }
0xe6: {  	v1 =	vld [tilespmem:s30+$0xFFFFFF30];
	[tilespmem:s28+$0x30] =	vst v2  }
0xe7: {  	v2 =	vld [tilespmem:s30+$0xFFFFFF40];
	[tilespmem:s28+$0x40] =	vst v3  }
0xe8: {  	v3 =	vld [tilespmem:s30+$0xFFFFFF50];
	[tilespmem:s28+$0x50] =	vst v4  }
0xe9: {  	v4 =	vld [tilespmem:s30+$0xFFFFFF60];
	[tilespmem:s28+$0x60] =	vst v5  }
0xea: {  	v5 =	vld [tilespmem:s30+$0xFFFFFF70]  }
0xeb: {  	v7 =	vld [tilespmem:s30+$0xFFFFFF80]  }
0xec: {  	v6 =	vld.idx.msk [tilespmem:v6+s21+$0x0], $0xffff  }
0xed: {  	v8 =	vld [tilespmem:s30+$0xFFFFFF90]  }
0xee: {  	v9 =	vld [tilespmem:s30+$0xFFFFFFA0]  }
0xef: {  	v10 =	vld [tilespmem:s30+$0xFFFFFFB0]  }
0xf0: {  	v11 =	vld [tilespmem:s30+$0xFFFFFFC0]  }
0xf1: {  	s28 =	sadd.s32 $0x100, s28;
	v12 =	vld [tilespmem:s30+$0xFFFFFFD0]  }
0xf2: {  	v13 =	vld [tilespmem:s30+$0xFFFFFFE0];
	[tilespmem:s28+$0x70] =	vst v6  }
0xf3: {  	v6 =	vld [tilespmem:s30+$0xFFFFFFF0]  }
0xf4: {  	v14 =	vld [tilespmem:s30+$0xFFFFFF10]  }
0xf5: {  	v0 =	vld.idx.msk [tilespmem:v0+s21+$0x0], $0xffff  }
0xf6: {  	v1 =	vld.idx.msk [tilespmem:v1+s21+$0x0], $0xffff  }
0xf7: {  	v2 =	vld.idx.msk [tilespmem:v2+s21+$0x0], $0xffff  }
0xf8: {  	v3 =	vld.idx.msk [tilespmem:v3+s21+$0x0], $0xffff  }
0xf9: {  	v4 =	vld.idx.msk [tilespmem:v4+s21+$0x0], $0xffff  }
0xfa: {  	v5 =	vld.idx.msk [tilespmem:v5+s21+$0x0], $0xffff  }
0xfb: {  	[tilespmem:s28+$0xFFFFFF90] =	vst v0;
	v7 =	vld.idx.msk [tilespmem:v7+s21+$0x0], $0xffff  }
0xfc: {  	v14 =	vld.idx.msk [tilespmem:v14+s21+$0x0], $0xffff;
	[tilespmem:s28+$0xFFFFFFA0] =	vst v1  }
0xfd: {  	[tilespmem:s28+$0xFFFFFFB0] =	vst v2;
	v8 =	vld.idx.msk [tilespmem:v8+s21+$0x0], $0xffff  }
0xfe: {  	[tilespmem:s28+$0xFFFFFFC0] =	vst v3;
	v0 =	vld.idx.msk [tilespmem:v9+s21+$0x0], $0xffff  }
.Ltmp5:
0xff: {  	[tilespmem:s28+$0xFFFFFFD0] =	vst v4;
	v1 =	vld.idx.msk [tilespmem:v10+s21+$0x0], $0xffff;
	(pc) =	sbr.rel @p2 .LBB2_7-.Ltmp5, $4  }
0x100: {  	[tilespmem:s28+$0xFFFFFFE0] =	vst v5;
	v2 =	vld.idx.msk [tilespmem:v11+s21+$0x0], $0xffff  }
0x101: {  	[tilespmem:s28+$0xFFFFFFF0] =	vst v7;
	v3 =	vld.idx.msk [tilespmem:v12+s21+$0x0], $0xffff  }
0x102: {  	[tilespmem:s28+$0xFFFFFF80] =	vst v14;
	v4 =	vld.idx.msk [tilespmem:v13+s21+$0x0], $0xffff  }
0x103: {  	s30 =	sadd.s32 $0x100, s30;
	[tilespmem:s28+$0x0] =	vst v8;
	v5 =	vld.idx.msk [tilespmem:v6+s21+$0x0], $0xffff  }
0x104: {  	[tilespmem:s28+$0x10] =	vst v0  }
0x105: {  	[tilespmem:s28+$0x20] =	vst v1  }
0x106: {  	[tilespmem:s28+$0x30] =	vst v2  }
0x107: {  	[tilespmem:s28+$0x40] =	vst v3  }
0x108: {  	[tilespmem:s28+$0x50] =	vst v4  }
0x109: {  	[tilespmem:s28+$0x60] =	vst v5;
	s28 =	sadd.s32 s26, s9  }
0x10a: {  	[hbm4b:s28+s16] =	stream.strided.scatter [tilespmem:s19], [sflag:$0x1], $0x1000, s17, s16, $0x38;
	[tilespmem:$0x1E700] =	vst v63  }
0x10b: {  	_ =	swait.ge [sflag:s23], $0x1000  }
0x10c: {  	[sflag:s23] =	ssyncset.done $0x0  }
0x10d: {  	s28 =	simm.s32 $0x30F0;
	[sflag:s23] =	ssyncadd.s32 $0xFFFFF000  }
0x10e: {  	v0 =	vld [tilespmem:s28+$0x0]  }
0x10f: {  	v1 =	vld [tilespmem:s28+$0xFFFFFF20]  }
0x110: {  	v2 =	vld [tilespmem:s28+$0xFFFFFF30]  }
0x111: {  	v3 =	vld [tilespmem:s28+$0xFFFFFF40]  }
0x112: {  	v4 =	vld [tilespmem:s28+$0xFFFFFF50]  }
0x113: {  	v5 =	vld [tilespmem:s28+$0xFFFFFF60]  }
0x114: {  	v6 =	vld [tilespmem:s28+$0xFFFFFF70]  }
0x115: {  	v7 =	vld [tilespmem:s28+$0xFFFFFF80]  }
0x116: {  	v8 =	vld [tilespmem:s28+$0xFFFFFF90]  }
0x117: {  	v9 =	vld [tilespmem:s28+$0xFFFFFFA0]  }
0x118: {  	v10 =	vld [tilespmem:s28+$0xFFFFFFB0]  }
0x119: {  	v11 =	vld [tilespmem:s28+$0xFFFFFFC0]  }
0x11a: {  	v12 =	vld [tilespmem:s28+$0xFFFFFFD0]  }
0x11b: {  	v13 =	vld [tilespmem:s28+$0xFFFFFFE0]  }
0x11c: {  	v14 =	vld [tilespmem:s28+$0xFFFFFFF0]  }
0x11d: {  	v15 =	vld [tilespmem:s28+$0xFFFFFF10]  }
0x11e: {  	v0 =	vld.idx.msk [tilespmem:v0+s21+$0x0], $0xffff  }
0x11f: {  	v1 =	vld.idx.msk [tilespmem:v1+s21+$0x0], $0xffff  }
0x120: {  	v2 =	vld.idx.msk [tilespmem:v2+s21+$0x0], $0xffff  }
0x121: {  	v3 =	vld.idx.msk [tilespmem:v3+s21+$0x0], $0xffff  }
0x122: {  	v4 =	vld.idx.msk [tilespmem:v4+s21+$0x0], $0xffff  }
0x123: {  	s28 =	simm.s32 $0x1D780;
	v5 =	vld.idx.msk [tilespmem:v5+s21+$0x0], $0xffff  }
0x124: {  	v6 =	vld.idx.msk [tilespmem:v6+s21+$0x0], $0xffff;
	[tilespmem:s28+$0x70] =	vst v0  }
0x125: {  	v7 =	vld.idx.msk [tilespmem:v7+s21+$0x0], $0xffff;
	[tilespmem:s28+$0xFFFFFF90] =	vst v1  }
0x126: {  	v15 =	vld.idx.msk [tilespmem:v15+s21+$0x0], $0xffff;
	[tilespmem:s28+$0xFFFFFFA0] =	vst v2  }
0x127: {  	v8 =	vld.idx.msk [tilespmem:v8+s21+$0x0], $0xffff;
	[tilespmem:s28+$0xFFFFFFB0] =	vst v3  }
0x128: {  	[tilespmem:s28+$0xFFFFFFC0] =	vst v4;
	v0 =	vld.idx.msk [tilespmem:v9+s21+$0x0], $0xffff  }
0x129: {  	[tilespmem:s28+$0xFFFFFFD0] =	vst v5;
	v1 =	vld.idx.msk [tilespmem:v10+s21+$0x0], $0xffff  }
0x12a: {  	[tilespmem:s28+$0xFFFFFFE0] =	vst v6;
	v2 =	vld.idx.msk [tilespmem:v11+s21+$0x0], $0xffff  }
0x12b: {  	[tilespmem:s28+$0xFFFFFFF0] =	vst v7;
	v3 =	vld.idx.msk [tilespmem:v12+s21+$0x0], $0xffff  }
0x12c: {  	[tilespmem:s28+$0xFFFFFF80] =	vst v15;
	v4 =	vld.idx.msk [tilespmem:v13+s21+$0x0], $0xffff  }
0x12d: {  	s29 =	simm.s32 $0x0;
	s30 =	simm.s32 $0x31F0;
	[tilespmem:s28+$0x0] =	vst v8;
	v5 =	vld.idx.msk [tilespmem:v14+s21+$0x0], $0xffff  }
.LBB2_9:
0x12e: {  	v6 =	vld [tilespmem:s30+$0x0];
	s29 =	sadd.s32 $0x100, s29;
	[tilespmem:s28+$0x10] =	vst v0  }
0x12f: {  	v0 =	vld [tilespmem:s30+$0xFFFFFF20];
	p2 =	slt.u32 s29, $0xF00;
	[tilespmem:s28+$0x20] =	vst v1  }
0x130: {  	v1 =	vld [tilespmem:s30+$0xFFFFFF30];
	[tilespmem:s28+$0x30] =	vst v2  }
0x131: {  	v2 =	vld [tilespmem:s30+$0xFFFFFF40];
	[tilespmem:s28+$0x40] =	vst v3  }
0x132: {  	v3 =	vld [tilespmem:s30+$0xFFFFFF50];
	[tilespmem:s28+$0x50] =	vst v4  }
0x133: {  	v4 =	vld [tilespmem:s30+$0xFFFFFF60];
	[tilespmem:s28+$0x60] =	vst v5  }
0x134: {  	v5 =	vld [tilespmem:s30+$0xFFFFFF70]  }
0x135: {  	v7 =	vld [tilespmem:s30+$0xFFFFFF80]  }
0x136: {  	v6 =	vld.idx.msk [tilespmem:v6+s21+$0x0], $0xffff  }
0x137: {  	v8 =	vld [tilespmem:s30+$0xFFFFFF90]  }
0x138: {  	v9 =	vld [tilespmem:s30+$0xFFFFFFA0]  }
0x139: {  	v10 =	vld [tilespmem:s30+$0xFFFFFFB0]  }
0x13a: {  	v11 =	vld [tilespmem:s30+$0xFFFFFFC0]  }
0x13b: {  	s28 =	sadd.s32 $0x100, s28;
	v12 =	vld [tilespmem:s30+$0xFFFFFFD0]  }
0x13c: {  	v13 =	vld [tilespmem:s30+$0xFFFFFFE0];
	[tilespmem:s28+$0x70] =	vst v6  }
0x13d: {  	v6 =	vld [tilespmem:s30+$0xFFFFFFF0]  }
0x13e: {  	v14 =	vld [tilespmem:s30+$0xFFFFFF10]  }
0x13f: {  	v0 =	vld.idx.msk [tilespmem:v0+s21+$0x0], $0xffff  }
0x140: {  	v1 =	vld.idx.msk [tilespmem:v1+s21+$0x0], $0xffff  }
0x141: {  	v2 =	vld.idx.msk [tilespmem:v2+s21+$0x0], $0xffff  }
0x142: {  	v3 =	vld.idx.msk [tilespmem:v3+s21+$0x0], $0xffff  }
0x143: {  	v4 =	vld.idx.msk [tilespmem:v4+s21+$0x0], $0xffff  }
0x144: {  	v5 =	vld.idx.msk [tilespmem:v5+s21+$0x0], $0xffff  }
0x145: {  	[tilespmem:s28+$0xFFFFFF90] =	vst v0;
	v7 =	vld.idx.msk [tilespmem:v7+s21+$0x0], $0xffff  }
0x146: {  	v14 =	vld.idx.msk [tilespmem:v14+s21+$0x0], $0xffff;
	[tilespmem:s28+$0xFFFFFFA0] =	vst v1  }
0x147: {  	[tilespmem:s28+$0xFFFFFFB0] =	vst v2;
	v8 =	vld.idx.msk [tilespmem:v8+s21+$0x0], $0xffff  }
0x148: {  	[tilespmem:s28+$0xFFFFFFC0] =	vst v3;
	v0 =	vld.idx.msk [tilespmem:v9+s21+$0x0], $0xffff  }
.Ltmp6:
0x149: {  	[tilespmem:s28+$0xFFFFFFD0] =	vst v4;
	v1 =	vld.idx.msk [tilespmem:v10+s21+$0x0], $0xffff;
	(pc) =	sbr.rel @p2 .LBB2_9-.Ltmp6, $4  }
0x14a: {  	[tilespmem:s28+$0xFFFFFFE0] =	vst v5;
	v2 =	vld.idx.msk [tilespmem:v11+s21+$0x0], $0xffff  }
0x14b: {  	[tilespmem:s28+$0xFFFFFFF0] =	vst v7;
	v3 =	vld.idx.msk [tilespmem:v12+s21+$0x0], $0xffff  }
0x14c: {  	[tilespmem:s28+$0xFFFFFF80] =	vst v14;
	v4 =	vld.idx.msk [tilespmem:v13+s21+$0x0], $0xffff  }
0x14d: {  	s30 =	sadd.s32 $0x100, s30;
	[tilespmem:s28+$0x0] =	vst v8;
	v5 =	vld.idx.msk [tilespmem:v6+s21+$0x0], $0xffff  }
0x14e: {  	[tilespmem:s28+$0x10] =	vst v0;
	s25 =	sadd.s32 $0x1, s25  }
0x14f: {  	[tilespmem:s28+$0x20] =	vst v1;
	p2 =	slt.u32 s25, s7  }
.Ltmp7:
0x150: {  	[tilespmem:s28+$0x30] =	vst v2;
	(pc) =	sbr.rel @p2 .LBB2_2-.Ltmp7, $4  }
0x151: {  	[tilespmem:s28+$0x40] =	vst v3  }
0x152: {  	[tilespmem:s28+$0x50] =	vst v4  }
0x153: {  	s26 =	sadd.s32 s26, s11;
	[tilespmem:s28+$0x60] =	vst v5  }
0x154: {  	[hbm4b:s26+s16] =	stream.strided.scatter [tilespmem:s20], [sflag:$0x2], $0x1000, s17, s16, $0x38;
	[tilespmem:$0x1E700] =	vst v63  }
.LBB2_11:
.Ltmp8:
0x155: {  	(pc) =	sbr.rel @p1 .LBB2_22-.Ltmp8, $1  }
0x156: {  	_ =	sdelay $0x3  }
0x157: {  	[tilespmem:s3], [sflag:$0x3] =	stream.strided.gather [hbm4b:s14+s16], $0x4000, s17, s16, $0x38;
	[tilespmem:$0x1E700] =	vst v63  }
0x158: {  	_ =	swait.ge [sflag:s18], $0x4000  }
0x159: {  	[sflag:s18] =	ssyncset.done $0x0  }
0x15a: {  	s25 =	smov.u32 s7;
	[sflag:s18] =	ssyncadd.s32 $0xFFFFC000  }
.LBB2_13:
0x15b: {  	s26 =	sshrl.u32 s25, $0x3  }
0x15c: {  	s28 =	sshll.u32 s25, $0x7;
	s29 =	smul.u32 $0xC3800, s26  }
0x15d: {  	s28 =	sand.u32 $0x380, s28  }
0x15e: {  	s29 =	sor.u32 s28, s29  }
0x15f: {  	s29 =	sshrl.u32 s29, $0x3  }
0x160: {  	s30 =	simm.s32 $0x80;
	s29 =	sadd.s32 s2, s29  }
0x161: {  	[tilespmem:s21], [sflag:$0x3] =	stream.strided.gather [hbm4b:s29+s30], $0x18700, s17, s30, $0x38;
	[tilespmem:$0x1E700] =	vst v63  }
0x162: {  	_ =	swait.ge [sflag:s18], $0x18700  }
0x163: {  	[sflag:s18] =	ssyncset.done $0x0  }
0x164: {  	[sflag:s18] =	ssyncadd.s32 $0xFFFE7900  }
0x165: {  	_ =	swait.ge [sflag:s22], $0x1000  }
0x166: {  	[sflag:s22] =	ssyncset.done $0x0  }
0x167: {  	[sflag:s22] =	ssyncadd.s32 $0xFFFFF000  }
0x168: {  	v0 =	vld [tilespmem:s30+$0x70]  }
0x169: {  	v1 =	vld [tilespmem:s30+$0xFFFFFF90]  }
0x16a: {  	v2 =	vld [tilespmem:s30+$0xFFFFFFA0]  }
0x16b: {  	v3 =	vld [tilespmem:s30+$0xFFFFFFB0]  }
0x16c: {  	v4 =	vld [tilespmem:s30+$0xFFFFFFC0]  }
0x16d: {  	v5 =	vld [tilespmem:s30+$0xFFFFFFD0]  }
0x16e: {  	v6 =	vld [tilespmem:s30+$0xFFFFFFE0]  }
0x16f: {  	v7 =	vld [tilespmem:s30+$0xFFFFFFF0]  }
0x170: {  	v8 =	vld [tilespmem:s30+$0x0]  }
0x171: {  	v9 =	vld [tilespmem:s30+$0x10]  }
0x172: {  	v10 =	vld [tilespmem:s30+$0x20]  }
0x173: {  	v11 =	vld [tilespmem:s30+$0x30]  }
0x174: {  	v12 =	vld [tilespmem:s30+$0x40]  }
0x175: {  	v13 =	vld [tilespmem:s30+$0x50]  }
0x176: {  	v14 =	vld [tilespmem:s30+$0x60]  }
0x177: {  	v15 =	vld [tilespmem:s30+$0xFFFFFF80]  }
0x178: {  	v0 =	vld.idx.msk [tilespmem:v0+s21+$0x0], $0xffff  }
0x179: {  	v1 =	vld.idx.msk [tilespmem:v1+s21+$0x0], $0xffff  }
0x17a: {  	v2 =	vld.idx.msk [tilespmem:v2+s21+$0x0], $0xffff  }
0x17b: {  	v3 =	vld.idx.msk [tilespmem:v3+s21+$0x0], $0xffff  }
0x17c: {  	v4 =	vld.idx.msk [tilespmem:v4+s21+$0x0], $0xffff  }
0x17d: {  	s29 =	simm.s32 $0x1C780;
	v5 =	vld.idx.msk [tilespmem:v5+s21+$0x0], $0xffff  }
0x17e: {  	v6 =	vld.idx.msk [tilespmem:v6+s21+$0x0], $0xffff;
	[tilespmem:s29+$0x70] =	vst v0  }
0x17f: {  	v7 =	vld.idx.msk [tilespmem:v7+s21+$0x0], $0xffff;
	[tilespmem:s29+$0xFFFFFF90] =	vst v1  }
0x180: {  	v15 =	vld.idx.msk [tilespmem:v15+s21+$0x0], $0xffff;
	[tilespmem:s29+$0xFFFFFFA0] =	vst v2  }
0x181: {  	v8 =	vld.idx.msk [tilespmem:v8+s21+$0x0], $0xffff;
	[tilespmem:s29+$0xFFFFFFB0] =	vst v3  }
0x182: {  	[tilespmem:s29+$0xFFFFFFC0] =	vst v4;
	v0 =	vld.idx.msk [tilespmem:v9+s21+$0x0], $0xffff  }
0x183: {  	[tilespmem:s29+$0xFFFFFFD0] =	vst v5;
	v1 =	vld.idx.msk [tilespmem:v10+s21+$0x0], $0xffff  }
0x184: {  	[tilespmem:s29+$0xFFFFFFE0] =	vst v6;
	v2 =	vld.idx.msk [tilespmem:v11+s21+$0x0], $0xffff  }
0x185: {  	[tilespmem:s29+$0xFFFFFFF0] =	vst v7;
	v3 =	vld.idx.msk [tilespmem:v12+s21+$0x0], $0xffff  }
0x186: {  	[tilespmem:s29+$0xFFFFFF80] =	vst v15;
	v4 =	vld.idx.msk [tilespmem:v13+s21+$0x0], $0xffff  }
0x187: {  	s31 =	simm.s32 $0x180;
	s30 =	simm.s32 $0x0;
	[tilespmem:s29+$0x0] =	vst v8;
	v5 =	vld.idx.msk [tilespmem:v14+s21+$0x0], $0xffff  }
.LBB2_14:
0x188: {  	v6 =	vld [tilespmem:s31+$0x70];
	s30 =	sadd.s32 $0x100, s30;
	[tilespmem:s29+$0x10] =	vst v0  }
0x189: {  	v0 =	vld [tilespmem:s31+$0xFFFFFF90];
	p2 =	slt.u32 s30, $0xF00;
	[tilespmem:s29+$0x20] =	vst v1  }
0x18a: {  	v1 =	vld [tilespmem:s31+$0xFFFFFFA0];
	[tilespmem:s29+$0x30] =	vst v2  }
0x18b: {  	v2 =	vld [tilespmem:s31+$0xFFFFFFB0];
	[tilespmem:s29+$0x40] =	vst v3  }
0x18c: {  	v3 =	vld [tilespmem:s31+$0xFFFFFFC0];
	[tilespmem:s29+$0x50] =	vst v4  }
0x18d: {  	v4 =	vld [tilespmem:s31+$0xFFFFFFD0];
	[tilespmem:s29+$0x60] =	vst v5  }
0x18e: {  	v5 =	vld [tilespmem:s31+$0xFFFFFFE0]  }
0x18f: {  	v7 =	vld [tilespmem:s31+$0xFFFFFFF0]  }
0x190: {  	v6 =	vld.idx.msk [tilespmem:v6+s21+$0x0], $0xffff  }
0x191: {  	v8 =	vld [tilespmem:s31+$0x0]  }
0x192: {  	v9 =	vld [tilespmem:s31+$0x10]  }
0x193: {  	v10 =	vld [tilespmem:s31+$0x20]  }
0x194: {  	v11 =	vld [tilespmem:s31+$0x30]  }
0x195: {  	s29 =	sadd.s32 $0x100, s29;
	v12 =	vld [tilespmem:s31+$0x40]  }
0x196: {  	v13 =	vld [tilespmem:s31+$0x50];
	[tilespmem:s29+$0x70] =	vst v6  }
0x197: {  	v6 =	vld [tilespmem:s31+$0x60]  }
0x198: {  	v14 =	vld [tilespmem:s31+$0xFFFFFF80]  }
0x199: {  	v0 =	vld.idx.msk [tilespmem:v0+s21+$0x0], $0xffff  }
0x19a: {  	v1 =	vld.idx.msk [tilespmem:v1+s21+$0x0], $0xffff  }
0x19b: {  	v2 =	vld.idx.msk [tilespmem:v2+s21+$0x0], $0xffff  }
0x19c: {  	v3 =	vld.idx.msk [tilespmem:v3+s21+$0x0], $0xffff  }
0x19d: {  	v4 =	vld.idx.msk [tilespmem:v4+s21+$0x0], $0xffff  }
0x19e: {  	v5 =	vld.idx.msk [tilespmem:v5+s21+$0x0], $0xffff  }
0x19f: {  	[tilespmem:s29+$0xFFFFFF90] =	vst v0;
	v7 =	vld.idx.msk [tilespmem:v7+s21+$0x0], $0xffff  }
0x1a0: {  	v14 =	vld.idx.msk [tilespmem:v14+s21+$0x0], $0xffff;
	[tilespmem:s29+$0xFFFFFFA0] =	vst v1  }
0x1a1: {  	[tilespmem:s29+$0xFFFFFFB0] =	vst v2;
	v8 =	vld.idx.msk [tilespmem:v8+s21+$0x0], $0xffff  }
0x1a2: {  	[tilespmem:s29+$0xFFFFFFC0] =	vst v3;
	v0 =	vld.idx.msk [tilespmem:v9+s21+$0x0], $0xffff  }
.Ltmp9:
0x1a3: {  	[tilespmem:s29+$0xFFFFFFD0] =	vst v4;
	v1 =	vld.idx.msk [tilespmem:v10+s21+$0x0], $0xffff;
	(pc) =	sbr.rel @p2 .LBB2_14-.Ltmp9, $4  }
0x1a4: {  	[tilespmem:s29+$0xFFFFFFE0] =	vst v5;
	v2 =	vld.idx.msk [tilespmem:v11+s21+$0x0], $0xffff  }
0x1a5: {  	[tilespmem:s29+$0xFFFFFFF0] =	vst v7;
	v3 =	vld.idx.msk [tilespmem:v12+s21+$0x0], $0xffff  }
0x1a6: {  	[tilespmem:s29+$0xFFFFFF80] =	vst v14;
	v4 =	vld.idx.msk [tilespmem:v13+s21+$0x0], $0xffff  }
0x1a7: {  	s31 =	sadd.s32 $0x100, s31;
	[tilespmem:s29+$0x0] =	vst v8;
	v5 =	vld.idx.msk [tilespmem:v6+s21+$0x0], $0xffff  }
0x1a8: {  	[tilespmem:s29+$0x10] =	vst v0  }
0x1a9: {  	[tilespmem:s29+$0x20] =	vst v1  }
0x1aa: {  	s26 =	sshll.u32 s26, $0x11;
	[tilespmem:s29+$0x30] =	vst v2  }
0x1ab: {  	s26 =	sor.u32 s28, s26;
	[tilespmem:s29+$0x40] =	vst v3  }
0x1ac: {  	s26 =	sshrl.u32 s26, $0x3;
	[tilespmem:s29+$0x50] =	vst v4  }
0x1ad: {  	s28 =	sadd.s32 s5, s26;
	[tilespmem:s29+$0x60] =	vst v5  }
0x1ae: {  	[hbm4b:s28+s16] =	stream.strided.scatter [tilespmem:s19], [sflag:$0x1], $0x1000, s17, s16, $0x38;
	[tilespmem:$0x1E700] =	vst v63  }
0x1af: {  	_ =	swait.ge [sflag:s23], $0x1000  }
0x1b0: {  	[sflag:s23] =	ssyncset.done $0x0  }
0x1b1: {  	s28 =	simm.s32 $0x10F0;
	[sflag:s23] =	ssyncadd.s32 $0xFFFFF000  }
0x1b2: {  	v0 =	vld [tilespmem:s28+$0x0]  }
0x1b3: {  	v1 =	vld [tilespmem:s28+$0xFFFFFF20]  }
0x1b4: {  	v2 =	vld [tilespmem:s28+$0xFFFFFF30]  }
0x1b5: {  	v3 =	vld [tilespmem:s28+$0xFFFFFF40]  }
0x1b6: {  	v4 =	vld [tilespmem:s28+$0xFFFFFF50]  }
0x1b7: {  	v5 =	vld [tilespmem:s28+$0xFFFFFF60]  }
0x1b8: {  	v6 =	vld [tilespmem:s28+$0xFFFFFF70]  }
0x1b9: {  	v7 =	vld [tilespmem:s28+$0xFFFFFF80]  }
0x1ba: {  	v8 =	vld [tilespmem:s28+$0xFFFFFF90]  }
0x1bb: {  	v9 =	vld [tilespmem:s28+$0xFFFFFFA0]  }
0x1bc: {  	v10 =	vld [tilespmem:s28+$0xFFFFFFB0]  }
0x1bd: {  	v11 =	vld [tilespmem:s28+$0xFFFFFFC0]  }
0x1be: {  	v12 =	vld [tilespmem:s28+$0xFFFFFFD0]  }
0x1bf: {  	v13 =	vld [tilespmem:s28+$0xFFFFFFE0]  }
0x1c0: {  	v14 =	vld [tilespmem:s28+$0xFFFFFFF0]  }
0x1c1: {  	v15 =	vld [tilespmem:s28+$0xFFFFFF10]  }
0x1c2: {  	v0 =	vld.idx.msk [tilespmem:v0+s21+$0x0], $0xffff  }
0x1c3: {  	v1 =	vld.idx.msk [tilespmem:v1+s21+$0x0], $0xffff  }
0x1c4: {  	v2 =	vld.idx.msk [tilespmem:v2+s21+$0x0], $0xffff  }
0x1c5: {  	v3 =	vld.idx.msk [tilespmem:v3+s21+$0x0], $0xffff  }
0x1c6: {  	v4 =	vld.idx.msk [tilespmem:v4+s21+$0x0], $0xffff  }
0x1c7: {  	s28 =	simm.s32 $0x1D780;
	v5 =	vld.idx.msk [tilespmem:v5+s21+$0x0], $0xffff  }
0x1c8: {  	v6 =	vld.idx.msk [tilespmem:v6+s21+$0x0], $0xffff;
	[tilespmem:s28+$0x70] =	vst v0  }
0x1c9: {  	v7 =	vld.idx.msk [tilespmem:v7+s21+$0x0], $0xffff;
	[tilespmem:s28+$0xFFFFFF90] =	vst v1  }
0x1ca: {  	v15 =	vld.idx.msk [tilespmem:v15+s21+$0x0], $0xffff;
	[tilespmem:s28+$0xFFFFFFA0] =	vst v2  }
0x1cb: {  	v8 =	vld.idx.msk [tilespmem:v8+s21+$0x0], $0xffff;
	[tilespmem:s28+$0xFFFFFFB0] =	vst v3  }
0x1cc: {  	[tilespmem:s28+$0xFFFFFFC0] =	vst v4;
	v0 =	vld.idx.msk [tilespmem:v9+s21+$0x0], $0xffff  }
0x1cd: {  	[tilespmem:s28+$0xFFFFFFD0] =	vst v5;
	v1 =	vld.idx.msk [tilespmem:v10+s21+$0x0], $0xffff  }
0x1ce: {  	[tilespmem:s28+$0xFFFFFFE0] =	vst v6;
	v2 =	vld.idx.msk [tilespmem:v11+s21+$0x0], $0xffff  }
0x1cf: {  	[tilespmem:s28+$0xFFFFFFF0] =	vst v7;
	v3 =	vld.idx.msk [tilespmem:v12+s21+$0x0], $0xffff  }
0x1d0: {  	[tilespmem:s28+$0xFFFFFF80] =	vst v15;
	v4 =	vld.idx.msk [tilespmem:v13+s21+$0x0], $0xffff  }
0x1d1: {  	s30 =	simm.s32 $0x11F0;
	s29 =	simm.s32 $0x0;
	[tilespmem:s28+$0x0] =	vst v8;
	v5 =	vld.idx.msk [tilespmem:v14+s21+$0x0], $0xffff  }
.LBB2_16:
0x1d2: {  	v6 =	vld [tilespmem:s30+$0x0];
	s29 =	sadd.s32 $0x100, s29;
	[tilespmem:s28+$0x10] =	vst v0  }
0x1d3: {  	v0 =	vld [tilespmem:s30+$0xFFFFFF20];
	p2 =	slt.u32 s29, $0xF00;
	[tilespmem:s28+$0x20] =	vst v1  }
0x1d4: {  	v1 =	vld [tilespmem:s30+$0xFFFFFF30];
	[tilespmem:s28+$0x30] =	vst v2  }
0x1d5: {  	v2 =	vld [tilespmem:s30+$0xFFFFFF40];
	[tilespmem:s28+$0x40] =	vst v3  }
0x1d6: {  	v3 =	vld [tilespmem:s30+$0xFFFFFF50];
	[tilespmem:s28+$0x50] =	vst v4  }
0x1d7: {  	v4 =	vld [tilespmem:s30+$0xFFFFFF60];
	[tilespmem:s28+$0x60] =	vst v5  }
0x1d8: {  	v5 =	vld [tilespmem:s30+$0xFFFFFF70]  }
0x1d9: {  	v7 =	vld [tilespmem:s30+$0xFFFFFF80]  }
0x1da: {  	v6 =	vld.idx.msk [tilespmem:v6+s21+$0x0], $0xffff  }
0x1db: {  	v8 =	vld [tilespmem:s30+$0xFFFFFF90]  }
0x1dc: {  	v9 =	vld [tilespmem:s30+$0xFFFFFFA0]  }
0x1dd: {  	v10 =	vld [tilespmem:s30+$0xFFFFFFB0]  }
0x1de: {  	v11 =	vld [tilespmem:s30+$0xFFFFFFC0]  }
0x1df: {  	s28 =	sadd.s32 $0x100, s28;
	v12 =	vld [tilespmem:s30+$0xFFFFFFD0]  }
0x1e0: {  	v13 =	vld [tilespmem:s30+$0xFFFFFFE0];
	[tilespmem:s28+$0x70] =	vst v6  }
0x1e1: {  	v6 =	vld [tilespmem:s30+$0xFFFFFFF0]  }
0x1e2: {  	v14 =	vld [tilespmem:s30+$0xFFFFFF10]  }
0x1e3: {  	v0 =	vld.idx.msk [tilespmem:v0+s21+$0x0], $0xffff  }
0x1e4: {  	v1 =	vld.idx.msk [tilespmem:v1+s21+$0x0], $0xffff  }
0x1e5: {  	v2 =	vld.idx.msk [tilespmem:v2+s21+$0x0], $0xffff  }
0x1e6: {  	v3 =	vld.idx.msk [tilespmem:v3+s21+$0x0], $0xffff  }
0x1e7: {  	v4 =	vld.idx.msk [tilespmem:v4+s21+$0x0], $0xffff  }
0x1e8: {  	v5 =	vld.idx.msk [tilespmem:v5+s21+$0x0], $0xffff  }
0x1e9: {  	[tilespmem:s28+$0xFFFFFF90] =	vst v0;
	v7 =	vld.idx.msk [tilespmem:v7+s21+$0x0], $0xffff  }
0x1ea: {  	v14 =	vld.idx.msk [tilespmem:v14+s21+$0x0], $0xffff;
	[tilespmem:s28+$0xFFFFFFA0] =	vst v1  }
0x1eb: {  	[tilespmem:s28+$0xFFFFFFB0] =	vst v2;
	v8 =	vld.idx.msk [tilespmem:v8+s21+$0x0], $0xffff  }
0x1ec: {  	[tilespmem:s28+$0xFFFFFFC0] =	vst v3;
	v0 =	vld.idx.msk [tilespmem:v9+s21+$0x0], $0xffff  }
.Ltmp10:
0x1ed: {  	[tilespmem:s28+$0xFFFFFFD0] =	vst v4;
	v1 =	vld.idx.msk [tilespmem:v10+s21+$0x0], $0xffff;
	(pc) =	sbr.rel @p2 .LBB2_16-.Ltmp10, $4  }
0x1ee: {  	[tilespmem:s28+$0xFFFFFFE0] =	vst v5;
	v2 =	vld.idx.msk [tilespmem:v11+s21+$0x0], $0xffff  }
0x1ef: {  	[tilespmem:s28+$0xFFFFFFF0] =	vst v7;
	v3 =	vld.idx.msk [tilespmem:v12+s21+$0x0], $0xffff  }
0x1f0: {  	[tilespmem:s28+$0xFFFFFF80] =	vst v14;
	v4 =	vld.idx.msk [tilespmem:v13+s21+$0x0], $0xffff  }
0x1f1: {  	s30 =	sadd.s32 $0x100, s30;
	[tilespmem:s28+$0x0] =	vst v8;
	v5 =	vld.idx.msk [tilespmem:v6+s21+$0x0], $0xffff  }
0x1f2: {  	[tilespmem:s28+$0x10] =	vst v0  }
0x1f3: {  	[tilespmem:s28+$0x20] =	vst v1  }
0x1f4: {  	[tilespmem:s28+$0x30] =	vst v2  }
0x1f5: {  	[tilespmem:s28+$0x40] =	vst v3  }
0x1f6: {  	[tilespmem:s28+$0x50] =	vst v4  }
0x1f7: {  	[tilespmem:s28+$0x60] =	vst v5;
	s28 =	sadd.s32 s26, s13  }
0x1f8: {  	[hbm4b:s28+s16] =	stream.strided.scatter [tilespmem:s20], [sflag:$0x2], $0x1000, s17, s16, $0x38;
	[tilespmem:$0x1E700] =	vst v63  }
0x1f9: {  	_ =	swait.ge [sflag:s22], $0x1000  }
0x1fa: {  	[sflag:s22] =	ssyncset.done $0x0  }
0x1fb: {  	s28 =	simm.s32 $0x20F0;
	[sflag:s22] =	ssyncadd.s32 $0xFFFFF000  }
0x1fc: {  	v0 =	vld [tilespmem:s28+$0x0]  }
0x1fd: {  	v1 =	vld [tilespmem:s28+$0xFFFFFF20]  }
0x1fe: {  	v2 =	vld [tilespmem:s28+$0xFFFFFF30]  }
0x1ff: {  	v3 =	vld [tilespmem:s28+$0xFFFFFF40]  }
0x200: {  	v4 =	vld [tilespmem:s28+$0xFFFFFF50]  }
0x201: {  	v5 =	vld [tilespmem:s28+$0xFFFFFF60]  }
0x202: {  	v6 =	vld [tilespmem:s28+$0xFFFFFF70]  }
0x203: {  	v7 =	vld [tilespmem:s28+$0xFFFFFF80]  }
0x204: {  	v8 =	vld [tilespmem:s28+$0xFFFFFF90]  }
0x205: {  	v9 =	vld [tilespmem:s28+$0xFFFFFFA0]  }
0x206: {  	v10 =	vld [tilespmem:s28+$0xFFFFFFB0]  }
0x207: {  	v11 =	vld [tilespmem:s28+$0xFFFFFFC0]  }
0x208: {  	v12 =	vld [tilespmem:s28+$0xFFFFFFD0]  }
0x209: {  	v13 =	vld [tilespmem:s28+$0xFFFFFFE0]  }
0x20a: {  	v14 =	vld [tilespmem:s28+$0xFFFFFFF0]  }
0x20b: {  	v15 =	vld [tilespmem:s28+$0xFFFFFF10]  }
0x20c: {  	v0 =	vld.idx.msk [tilespmem:v0+s21+$0x0], $0xffff  }
0x20d: {  	v1 =	vld.idx.msk [tilespmem:v1+s21+$0x0], $0xffff  }
0x20e: {  	v2 =	vld.idx.msk [tilespmem:v2+s21+$0x0], $0xffff  }
0x20f: {  	v3 =	vld.idx.msk [tilespmem:v3+s21+$0x0], $0xffff  }
0x210: {  	v4 =	vld.idx.msk [tilespmem:v4+s21+$0x0], $0xffff  }
0x211: {  	s28 =	simm.s32 $0x1C780;
	v5 =	vld.idx.msk [tilespmem:v5+s21+$0x0], $0xffff  }
0x212: {  	v6 =	vld.idx.msk [tilespmem:v6+s21+$0x0], $0xffff;
	[tilespmem:s28+$0x70] =	vst v0  }
0x213: {  	v7 =	vld.idx.msk [tilespmem:v7+s21+$0x0], $0xffff;
	[tilespmem:s28+$0xFFFFFF90] =	vst v1  }
0x214: {  	v15 =	vld.idx.msk [tilespmem:v15+s21+$0x0], $0xffff;
	[tilespmem:s28+$0xFFFFFFA0] =	vst v2  }
0x215: {  	v8 =	vld.idx.msk [tilespmem:v8+s21+$0x0], $0xffff;
	[tilespmem:s28+$0xFFFFFFB0] =	vst v3  }
0x216: {  	[tilespmem:s28+$0xFFFFFFC0] =	vst v4;
	v0 =	vld.idx.msk [tilespmem:v9+s21+$0x0], $0xffff  }
0x217: {  	[tilespmem:s28+$0xFFFFFFD0] =	vst v5;
	v1 =	vld.idx.msk [tilespmem:v10+s21+$0x0], $0xffff  }
0x218: {  	[tilespmem:s28+$0xFFFFFFE0] =	vst v6;
	v2 =	vld.idx.msk [tilespmem:v11+s21+$0x0], $0xffff  }
0x219: {  	[tilespmem:s28+$0xFFFFFFF0] =	vst v7;
	v3 =	vld.idx.msk [tilespmem:v12+s21+$0x0], $0xffff  }
0x21a: {  	[tilespmem:s28+$0xFFFFFF80] =	vst v15;
	v4 =	vld.idx.msk [tilespmem:v13+s21+$0x0], $0xffff  }
0x21b: {  	s29 =	simm.s32 $0x0;
	s30 =	simm.s32 $0x21F0;
	[tilespmem:s28+$0x0] =	vst v8;
	v5 =	vld.idx.msk [tilespmem:v14+s21+$0x0], $0xffff  }
.LBB2_18:
0x21c: {  	v6 =	vld [tilespmem:s30+$0x0];
	s29 =	sadd.s32 $0x100, s29;
	[tilespmem:s28+$0x10] =	vst v0  }
0x21d: {  	v0 =	vld [tilespmem:s30+$0xFFFFFF20];
	p2 =	slt.u32 s29, $0xF00;
	[tilespmem:s28+$0x20] =	vst v1  }
0x21e: {  	v1 =	vld [tilespmem:s30+$0xFFFFFF30];
	[tilespmem:s28+$0x30] =	vst v2  }
0x21f: {  	v2 =	vld [tilespmem:s30+$0xFFFFFF40];
	[tilespmem:s28+$0x40] =	vst v3  }
0x220: {  	v3 =	vld [tilespmem:s30+$0xFFFFFF50];
	[tilespmem:s28+$0x50] =	vst v4  }
0x221: {  	v4 =	vld [tilespmem:s30+$0xFFFFFF60];
	[tilespmem:s28+$0x60] =	vst v5  }
0x222: {  	v5 =	vld [tilespmem:s30+$0xFFFFFF70]  }
0x223: {  	v7 =	vld [tilespmem:s30+$0xFFFFFF80]  }
0x224: {  	v6 =	vld.idx.msk [tilespmem:v6+s21+$0x0], $0xffff  }
0x225: {  	v8 =	vld [tilespmem:s30+$0xFFFFFF90]  }
0x226: {  	v9 =	vld [tilespmem:s30+$0xFFFFFFA0]  }
0x227: {  	v10 =	vld [tilespmem:s30+$0xFFFFFFB0]  }
0x228: {  	v11 =	vld [tilespmem:s30+$0xFFFFFFC0]  }
0x229: {  	s28 =	sadd.s32 $0x100, s28;
	v12 =	vld [tilespmem:s30+$0xFFFFFFD0]  }
0x22a: {  	v13 =	vld [tilespmem:s30+$0xFFFFFFE0];
	[tilespmem:s28+$0x70] =	vst v6  }
0x22b: {  	v6 =	vld [tilespmem:s30+$0xFFFFFFF0]  }
0x22c: {  	v14 =	vld [tilespmem:s30+$0xFFFFFF10]  }
0x22d: {  	v0 =	vld.idx.msk [tilespmem:v0+s21+$0x0], $0xffff  }
0x22e: {  	v1 =	vld.idx.msk [tilespmem:v1+s21+$0x0], $0xffff  }
0x22f: {  	v2 =	vld.idx.msk [tilespmem:v2+s21+$0x0], $0xffff  }
0x230: {  	v3 =	vld.idx.msk [tilespmem:v3+s21+$0x0], $0xffff  }
0x231: {  	v4 =	vld.idx.msk [tilespmem:v4+s21+$0x0], $0xffff  }
0x232: {  	v5 =	vld.idx.msk [tilespmem:v5+s21+$0x0], $0xffff  }
0x233: {  	[tilespmem:s28+$0xFFFFFF90] =	vst v0;
	v7 =	vld.idx.msk [tilespmem:v7+s21+$0x0], $0xffff  }
0x234: {  	v14 =	vld.idx.msk [tilespmem:v14+s21+$0x0], $0xffff;
	[tilespmem:s28+$0xFFFFFFA0] =	vst v1  }
0x235: {  	[tilespmem:s28+$0xFFFFFFB0] =	vst v2;
	v8 =	vld.idx.msk [tilespmem:v8+s21+$0x0], $0xffff  }
0x236: {  	[tilespmem:s28+$0xFFFFFFC0] =	vst v3;
	v0 =	vld.idx.msk [tilespmem:v9+s21+$0x0], $0xffff  }
.Ltmp11:
0x237: {  	[tilespmem:s28+$0xFFFFFFD0] =	vst v4;
	v1 =	vld.idx.msk [tilespmem:v10+s21+$0x0], $0xffff;
	(pc) =	sbr.rel @p2 .LBB2_18-.Ltmp11, $4  }
0x238: {  	[tilespmem:s28+$0xFFFFFFE0] =	vst v5;
	v2 =	vld.idx.msk [tilespmem:v11+s21+$0x0], $0xffff  }
0x239: {  	[tilespmem:s28+$0xFFFFFFF0] =	vst v7;
	v3 =	vld.idx.msk [tilespmem:v12+s21+$0x0], $0xffff  }
0x23a: {  	[tilespmem:s28+$0xFFFFFF80] =	vst v14;
	v4 =	vld.idx.msk [tilespmem:v13+s21+$0x0], $0xffff  }
0x23b: {  	s30 =	sadd.s32 $0x100, s30;
	[tilespmem:s28+$0x0] =	vst v8;
	v5 =	vld.idx.msk [tilespmem:v6+s21+$0x0], $0xffff  }
0x23c: {  	[tilespmem:s28+$0x10] =	vst v0  }
0x23d: {  	[tilespmem:s28+$0x20] =	vst v1  }
0x23e: {  	[tilespmem:s28+$0x30] =	vst v2  }
0x23f: {  	[tilespmem:s28+$0x40] =	vst v3  }
0x240: {  	[tilespmem:s28+$0x50] =	vst v4  }
0x241: {  	[tilespmem:s28+$0x60] =	vst v5;
	s28 =	sadd.s32 s26, s9  }
0x242: {  	[hbm4b:s28+s16] =	stream.strided.scatter [tilespmem:s19], [sflag:$0x1], $0x1000, s17, s16, $0x38;
	[tilespmem:$0x1E700] =	vst v63  }
0x243: {  	_ =	swait.ge [sflag:s23], $0x1000  }
0x244: {  	[sflag:s23] =	ssyncset.done $0x0  }
0x245: {  	s28 =	simm.s32 $0x30F0;
	[sflag:s23] =	ssyncadd.s32 $0xFFFFF000  }
0x246: {  	v0 =	vld [tilespmem:s28+$0x0]  }
0x247: {  	v1 =	vld [tilespmem:s28+$0xFFFFFF20]  }
0x248: {  	v2 =	vld [tilespmem:s28+$0xFFFFFF30]  }
0x249: {  	v3 =	vld [tilespmem:s28+$0xFFFFFF40]  }
0x24a: {  	v4 =	vld [tilespmem:s28+$0xFFFFFF50]  }
0x24b: {  	v5 =	vld [tilespmem:s28+$0xFFFFFF60]  }
0x24c: {  	v6 =	vld [tilespmem:s28+$0xFFFFFF70]  }
0x24d: {  	v7 =	vld [tilespmem:s28+$0xFFFFFF80]  }
0x24e: {  	v8 =	vld [tilespmem:s28+$0xFFFFFF90]  }
0x24f: {  	v9 =	vld [tilespmem:s28+$0xFFFFFFA0]  }
0x250: {  	v10 =	vld [tilespmem:s28+$0xFFFFFFB0]  }
0x251: {  	v11 =	vld [tilespmem:s28+$0xFFFFFFC0]  }
0x252: {  	v12 =	vld [tilespmem:s28+$0xFFFFFFD0]  }
0x253: {  	v13 =	vld [tilespmem:s28+$0xFFFFFFE0]  }
0x254: {  	v14 =	vld [tilespmem:s28+$0xFFFFFFF0]  }
0x255: {  	v15 =	vld [tilespmem:s28+$0xFFFFFF10]  }
0x256: {  	v0 =	vld.idx.msk [tilespmem:v0+s21+$0x0], $0xffff  }
0x257: {  	v1 =	vld.idx.msk [tilespmem:v1+s21+$0x0], $0xffff  }
0x258: {  	v2 =	vld.idx.msk [tilespmem:v2+s21+$0x0], $0xffff  }
0x259: {  	v3 =	vld.idx.msk [tilespmem:v3+s21+$0x0], $0xffff  }
0x25a: {  	v4 =	vld.idx.msk [tilespmem:v4+s21+$0x0], $0xffff  }
0x25b: {  	s28 =	simm.s32 $0x1D780;
	v5 =	vld.idx.msk [tilespmem:v5+s21+$0x0], $0xffff  }
0x25c: {  	v6 =	vld.idx.msk [tilespmem:v6+s21+$0x0], $0xffff;
	[tilespmem:s28+$0x70] =	vst v0  }
0x25d: {  	v7 =	vld.idx.msk [tilespmem:v7+s21+$0x0], $0xffff;
	[tilespmem:s28+$0xFFFFFF90] =	vst v1  }
0x25e: {  	v15 =	vld.idx.msk [tilespmem:v15+s21+$0x0], $0xffff;
	[tilespmem:s28+$0xFFFFFFA0] =	vst v2  }
0x25f: {  	v8 =	vld.idx.msk [tilespmem:v8+s21+$0x0], $0xffff;
	[tilespmem:s28+$0xFFFFFFB0] =	vst v3  }
0x260: {  	[tilespmem:s28+$0xFFFFFFC0] =	vst v4;
	v0 =	vld.idx.msk [tilespmem:v9+s21+$0x0], $0xffff  }
0x261: {  	[tilespmem:s28+$0xFFFFFFD0] =	vst v5;
	v1 =	vld.idx.msk [tilespmem:v10+s21+$0x0], $0xffff  }
0x262: {  	[tilespmem:s28+$0xFFFFFFE0] =	vst v6;
	v2 =	vld.idx.msk [tilespmem:v11+s21+$0x0], $0xffff  }
0x263: {  	[tilespmem:s28+$0xFFFFFFF0] =	vst v7;
	v3 =	vld.idx.msk [tilespmem:v12+s21+$0x0], $0xffff  }
0x264: {  	[tilespmem:s28+$0xFFFFFF80] =	vst v15;
	v4 =	vld.idx.msk [tilespmem:v13+s21+$0x0], $0xffff  }
0x265: {  	s29 =	simm.s32 $0x0;
	s30 =	simm.s32 $0x31F0;
	[tilespmem:s28+$0x0] =	vst v8;
	v5 =	vld.idx.msk [tilespmem:v14+s21+$0x0], $0xffff  }
.LBB2_20:
0x266: {  	v6 =	vld [tilespmem:s30+$0x0];
	s29 =	sadd.s32 $0x100, s29;
	[tilespmem:s28+$0x10] =	vst v0  }
0x267: {  	v0 =	vld [tilespmem:s30+$0xFFFFFF20];
	p2 =	slt.u32 s29, $0xF00;
	[tilespmem:s28+$0x20] =	vst v1  }
0x268: {  	v1 =	vld [tilespmem:s30+$0xFFFFFF30];
	[tilespmem:s28+$0x30] =	vst v2  }
0x269: {  	v2 =	vld [tilespmem:s30+$0xFFFFFF40];
	[tilespmem:s28+$0x40] =	vst v3  }
0x26a: {  	v3 =	vld [tilespmem:s30+$0xFFFFFF50];
	[tilespmem:s28+$0x50] =	vst v4  }
0x26b: {  	v4 =	vld [tilespmem:s30+$0xFFFFFF60];
	[tilespmem:s28+$0x60] =	vst v5  }
0x26c: {  	v5 =	vld [tilespmem:s30+$0xFFFFFF70]  }
0x26d: {  	v7 =	vld [tilespmem:s30+$0xFFFFFF80]  }
0x26e: {  	v6 =	vld.idx.msk [tilespmem:v6+s21+$0x0], $0xffff  }
0x26f: {  	v8 =	vld [tilespmem:s30+$0xFFFFFF90]  }
0x270: {  	v9 =	vld [tilespmem:s30+$0xFFFFFFA0]  }
0x271: {  	v10 =	vld [tilespmem:s30+$0xFFFFFFB0]  }
0x272: {  	v11 =	vld [tilespmem:s30+$0xFFFFFFC0]  }
0x273: {  	s28 =	sadd.s32 $0x100, s28;
	v12 =	vld [tilespmem:s30+$0xFFFFFFD0]  }
0x274: {  	v13 =	vld [tilespmem:s30+$0xFFFFFFE0];
	[tilespmem:s28+$0x70] =	vst v6  }
0x275: {  	v6 =	vld [tilespmem:s30+$0xFFFFFFF0]  }
0x276: {  	v14 =	vld [tilespmem:s30+$0xFFFFFF10]  }
0x277: {  	v0 =	vld.idx.msk [tilespmem:v0+s21+$0x0], $0xffff  }
0x278: {  	v1 =	vld.idx.msk [tilespmem:v1+s21+$0x0], $0xffff  }
0x279: {  	v2 =	vld.idx.msk [tilespmem:v2+s21+$0x0], $0xffff  }
0x27a: {  	v3 =	vld.idx.msk [tilespmem:v3+s21+$0x0], $0xffff  }
0x27b: {  	v4 =	vld.idx.msk [tilespmem:v4+s21+$0x0], $0xffff  }
0x27c: {  	v5 =	vld.idx.msk [tilespmem:v5+s21+$0x0], $0xffff  }
0x27d: {  	[tilespmem:s28+$0xFFFFFF90] =	vst v0;
	v7 =	vld.idx.msk [tilespmem:v7+s21+$0x0], $0xffff  }
0x27e: {  	v14 =	vld.idx.msk [tilespmem:v14+s21+$0x0], $0xffff;
	[tilespmem:s28+$0xFFFFFFA0] =	vst v1  }
0x27f: {  	[tilespmem:s28+$0xFFFFFFB0] =	vst v2;
	v8 =	vld.idx.msk [tilespmem:v8+s21+$0x0], $0xffff  }
0x280: {  	[tilespmem:s28+$0xFFFFFFC0] =	vst v3;
	v0 =	vld.idx.msk [tilespmem:v9+s21+$0x0], $0xffff  }
.Ltmp12:
0x281: {  	[tilespmem:s28+$0xFFFFFFD0] =	vst v4;
	v1 =	vld.idx.msk [tilespmem:v10+s21+$0x0], $0xffff;
	(pc) =	sbr.rel @p2 .LBB2_20-.Ltmp12, $4  }
0x282: {  	[tilespmem:s28+$0xFFFFFFE0] =	vst v5;
	v2 =	vld.idx.msk [tilespmem:v11+s21+$0x0], $0xffff  }
0x283: {  	[tilespmem:s28+$0xFFFFFFF0] =	vst v7;
	v3 =	vld.idx.msk [tilespmem:v12+s21+$0x0], $0xffff  }
0x284: {  	[tilespmem:s28+$0xFFFFFF80] =	vst v14;
	v4 =	vld.idx.msk [tilespmem:v13+s21+$0x0], $0xffff  }
0x285: {  	s30 =	sadd.s32 $0x100, s30;
	[tilespmem:s28+$0x0] =	vst v8;
	v5 =	vld.idx.msk [tilespmem:v6+s21+$0x0], $0xffff  }
0x286: {  	[tilespmem:s28+$0x10] =	vst v0;
	s25 =	sadd.s32 $0x1, s25  }
0x287: {  	[tilespmem:s28+$0x20] =	vst v1;
	p2 =	slt.u32 s25, s6  }
.Ltmp13:
0x288: {  	[tilespmem:s28+$0x30] =	vst v2;
	(pc) =	sbr.rel @p2 .LBB2_13-.Ltmp13, $4  }
.Ltmp14:
0x289: {  	[tilespmem:s28+$0x40] =	vst v3;
	(pc) =	sbr.rel @!p2 .LBB2_22-.Ltmp14, $4  }
0x28a: {  	[tilespmem:s28+$0x50] =	vst v4  }
0x28b: {  	s26 =	sadd.s32 s26, s11;
	[tilespmem:s28+$0x60] =	vst v5  }
0x28c: {  	[hbm4b:s26+s16] =	stream.strided.scatter [tilespmem:s20], [sflag:$0x2], $0x1000, s17, s16, $0x38;
	[tilespmem:$0x1E700] =	vst v63  }
0x28d: {  	_ = 	snop  }
.LBB2_23:
0x28e: {  	_ =	sfence.sel $0x180000  }
0x28f: {  	[bflag:$0x0] =	sbarrier.arrive $0xFFFF  }
0x290: {  	p0 =	sne.s32 s0, $0x0;
	_ =	strace $0x90000047  }
0x291: {  	s0 =	sadd.s32 @!p0 $0x100000, s1;
	[bflag:$0x2] =	sbarrier.arrive $0xFFFF  }
0x292: {  	[sflag:s0] =	ssyncadd.tile.s32 @!p0 $0x1;
	_ =	shalt  }
.Lfunc_end2:
_tile_overlayer_lowered:
.L_overlay_start_2:
0x293: {  	(tag) =	ssettag $0x2  }
0x294: {  	s0 =	rddreg [dreg:$0x0];
	s2 =	stileid.u32  }
0x295: {  	s1 =	rddreg [dreg:$0x1];
	p0 =	sne.s32 s2, $0x0  }
0x296: {  	s3 =	rddreg [dreg:$0x2];
	[bflag:$0x3] =	sbarrier.arrive $0xFFFF;
	s2 =	simm.s32 @!p0 $0x1C03  }
0x297: {  	[timem:s3], [sflag:s2] =	dma.local @!p0 [hbm:s0], s1  }
0x298: {  	s0 =	simm.s32 @!p0 $0x3  }
0x299: {  	_ =	swait.ge @!p0 [sflag:s0], s1  }
0x29a: {  	s1 =	ssub.s32 @!p0 $0x0, s1;
	[sflag:s0] =	ssyncset.done @!p0 $0x0  }
0x29b: {  	[sflag:s0] =	ssyncadd.s32 @!p0 s1  }
0x29c: {  	[bflag:$0x3] =	sbarrier.arrive $0xFFFF  }
0x29d: {  	_ =	shalt  }

</sc_bundles>
